<compile_context>
chip_gen: v7x
topology: tpu7x:2x2x1
jax: 0.10.2.dev20260603
libtpu: 0.0.44.dev20260713+nightly
codegen_flags: <defaults>
</compile_context>

<pallas_src>
import functools

import numpy as np

import jax
import jax.numpy as jnp
from jax import lax
from jax.experimental import pallas as pl
from jax.experimental.pallas import tpu as pltpu
from jax.experimental.pallas import tpu_sc as plsc

_LANES = 16

_PE_CACHE = {}


def _pos_encoding(seq_len, d_model):
    key = (seq_len, d_model)
    if key not in _PE_CACHE:
        pos = np.arange(seq_len, dtype=np.float32)[:, None]
        i = np.arange(0, d_model, 2, dtype=np.float32)[None, :]
        angle = pos / np.power(np.float32(10000.0), i / np.float32(d_model))
        pe = np.empty((seq_len, d_model), dtype=np.float32)
        pe[:, 0::2] = np.sin(angle)
        pe[:, 1::2] = np.cos(angle)
        _PE_CACHE[key] = jnp.asarray(pe)
    return _PE_CACHE[key]


@functools.partial(jax.jit, static_argnums=(3, 4, 5))
def _sc_embed(x, pe, table, batch, seq, d):
    info = plsc.get_sparse_core_info()
    nc, ns = info.num_cores, info.num_subcores
    nw = nc * ns
    s_per_w = seq // nw
    k = 16
    nchunk = s_per_w // k
    ncol = d // _LANES

    mesh = plsc.VectorSubcoreMesh(core_axis_name="c", subcore_axis_name="s")

    @functools.partial(
        pl.kernel,
        out_type=jax.ShapeDtypeStruct((batch, seq, d), jnp.float32),
        mesh=mesh,
        scratch_types=[
            pltpu.VMEM((batch, k), jnp.int32),
            pltpu.VMEM((k, d), jnp.float32),
            pltpu.VMEM((k, d), jnp.float32),
            pltpu.VMEM((k, d), jnp.float32),
            pltpu.VMEM((k, d), jnp.float32),
            pltpu.VMEM((k, d), jnp.float32),
            pltpu.SemaphoreType.DMA,
            pltpu.SemaphoreType.DMA,
            pltpu.SemaphoreType.DMA,
            pltpu.SemaphoreType.DMA,
            pltpu.SemaphoreType.DMA,
            pltpu.SemaphoreType.DMA,
            pltpu.SemaphoreType.DMA,
            pltpu.SemaphoreType.DMA,
        ],
    )
    def run(x_hbm, pe_hbm, table_hbm, out_hbm,
            idx_v, pe_v, r0, r1, r2, r3,
            g0, g1, g2, g3, o0, o1, o2, o3):
        rows = [r0, r1, r2, r3]
        gsem = [g0, g1, g2, g3]
        osem = [o0, o1, o2, o3]
        wid = lax.axis_index("s") * nc + lax.axis_index("c")
        w0 = wid * s_per_w

        def fire_gather(c, b):
            pltpu.sync_copy(x_hbm.at[b, pl.ds(w0 + c * k, k)], idx_v.at[b])
            pltpu.async_copy(table_hbm.at[idx_v.at[b]], rows[b], gsem[b])

        def wait_gather(b):
            pltpu.make_async_copy(
                table_hbm.at[idx_v.at[b]], rows[b], gsem[b]).wait()

        def fire_store(c, b):
            pltpu.async_copy(
                rows[b], out_hbm.at[b, pl.ds(w0 + c * k, k)], osem[b])

        def wait_store(c, b):
            pltpu.make_async_copy(
                rows[b], out_hbm.at[b, pl.ds(w0 + c * k, k)], osem[b]).wait()

        def add_pe(b):
            buf = rows[b]

            def body(i, carry):
                r = i // ncol
                col = (i % ncol) * _LANES
                plsc.addupdate(
                    buf.at[r, pl.ds(col, _LANES)],
                    pe_v[r, pl.ds(col, _LANES)],
                )
                return carry

            lax.fori_loop(0, k * ncol, body, 0, unroll=4)

        fire_gather(0, 0)
        fire_gather(0, 1)

        def chunk_body(c, carry):
            wait_gather(0)
            pltpu.sync_copy(pe_hbm.at[pl.ds(w0 + c * k, k)], pe_v)
            add_pe(0)
            fire_store(c, 0)

            @pl.when(c > 0)
            def _():
                wait_store(c - 1, 3)

            fire_gather(c, 2)
            wait_gather(1)
            add_pe(1)
            fire_store(c, 1)
            wait_store(c, 0)
            fire_gather(c, 3)
            wait_gather(2)
            add_pe(2)
            fire_store(c, 2)

            @pl.when(c + 1 < nchunk)
            def _():
                wait_store(c, 1)
                fire_gather(c + 1, 0)

            wait_gather(3)
            add_pe(3)
            fire_store(c, 3)

            @pl.when(c + 1 < nchunk)
            def _():
                wait_store(c, 2)
                fire_gather(c + 1, 1)

            return carry

        lax.fori_loop(0, nchunk, chunk_body, 0)

        for b in (1, 2, 3):
            wait_store(nchunk - 1, b)

    return run(x, pe, table)


def kernel(x, table):
    b, s = x.shape
    v, d = table.shape
    pe = _pos_encoding(s, d)
    return _sc_embed(x.astype(jnp.int32), pe, table, b, s, d)

# --- scband reference (transcript-rebuilt; emitter-appended) ---
"""Pipeline reference for scband-transformer-embedding-83769042141653 (READ-ONLY COPY).

The authoritative reference and input builder live on the scoring server;
editing this copy changes nothing except your own understanding.
"""

import jax, jax.numpy as jnp
import numpy as np

VOCAB = 100000
D_MODEL = 1024
BATCH = 4
SEQ_LEN = 4096


def positional_encoding(seq_len, d_model):
    # sinusoidal positional encoding, same math as the torch PositionalEncoding buffer
    pos = jnp.arange(seq_len, dtype=jnp.float32)[:, None]
    i = jnp.arange(0, d_model, 2, dtype=jnp.float32)[None, :]
    angle = pos / jnp.power(10000.0, i / d_model)
    pe = jnp.zeros((seq_len, d_model), dtype=jnp.float32)
    pe = pe.at[:, 0::2].set(jnp.sin(angle))
    pe = pe.at[:, 1::2].set(jnp.cos(angle))
    return pe


def setup_inputs(seed: int = 0) -> dict:
    key = jax.random.key(seed)
    k1, k2 = jax.random.split(key)
    x = jax.random.randint(k1, (BATCH, SEQ_LEN), 0, VOCAB, dtype=jnp.int64)
    table = jax.random.normal(k2, (VOCAB, D_MODEL), dtype=jnp.float32)
    return {"x": x, "table": table}


def reference(x, table):
    # TokenEmbedding: nn.Embedding lookup -> gather rows of the table
    tok = jnp.take(table, x, axis=0)  # [B, S, D]
    # PositionalEncoding: non-learned sinusoidal buffer sliced to seq_len
    pe = positional_encoding(x.shape[1], table.shape[1])  # [S, D]
    # Dropout is identity in eval mode
    return tok + pe[None, :, :]

if __name__ == "__main__":
    import jax
    _d = setup_inputs()
    print(jax.jit(kernel)(*tuple(_d.values())))

</pallas_src>

<mosaic_0001>
#map = affine_map<(d0, d1) -> (0, 0)>
#map1 = affine_map<(d0, d1) -> (0, 0, 0)>
module attributes {stable_mosaic.version = 14 : i64} {
  func.func @run(%arg0: i32, %arg1: i32, %arg2: memref<4x4096xi32, #tpu.memory_space<hbm>>, %arg3: memref<4096x1024xf32, #tpu.memory_space<hbm>>, %arg4: memref<100000x1024xf32, #tpu.memory_space<hbm>>, %arg5: memref<4x4096x1024xf32, #tpu.memory_space<hbm>>, %arg6: memref<4x16xi32, #tpu.memory_space<vmem>>, %arg7: memref<16x1024xf32, #tpu.memory_space<vmem>>, %arg8: memref<16x1024xf32, #tpu.memory_space<vmem>>, %arg9: memref<16x1024xf32, #tpu.memory_space<vmem>>, %arg10: memref<16x1024xf32, #tpu.memory_space<vmem>>, %arg11: memref<16x1024xf32, #tpu.memory_space<vmem>>, %arg12: memref<!tpu.dma_semaphore, #tpu.memory_space<semaphore_mem>>, %arg13: memref<!tpu.dma_semaphore, #tpu.memory_space<semaphore_mem>>, %arg14: memref<!tpu.dma_semaphore, #tpu.memory_space<semaphore_mem>>, %arg15: memref<!tpu.dma_semaphore, #tpu.memory_space<semaphore_mem>>, %arg16: memref<!tpu.dma_semaphore, #tpu.memory_space<semaphore_mem>>, %arg17: memref<!tpu.dma_semaphore, #tpu.memory_space<semaphore_mem>>, %arg18: memref<!tpu.dma_semaphore, #tpu.memory_space<semaphore_mem>>, %arg19: memref<!tpu.dma_semaphore, #tpu.memory_space<semaphore_mem>>) attributes {dimension_semantics = [#tpu.dimension_semantics<core_parallel>, #tpu.dimension_semantics<subcore_parallel>], iteration_bounds = array<i64: 2, 16>, scalar_prefetch = 0 : i64, scratch_operands = 14 : i64, tpu.core_type = #tpu.core_type<sc_vector_subcore>, window_params = [{transform_indices = #map}, {transform_indices = #map}, {transform_indices = #map}, {transform_indices = #map1}]} {
    %mul3A = arith.constant 2 : i32
    %mul3A_0 = arith.muli %arg1, %mul3A : i32
    %add3A = arith.addi %mul3A_0, %arg0 : i32
    %mul3A_1 = arith.constant 128 : i32
    %mul3A_2 = arith.muli %add3A, %mul3A_1 : i32
    %add3A_3 = arith.constant 0 : i32
    %add3A_4 = arith.addi %mul3A_2, %add3A_3 : i32
    %run_scoped3A = arith.constant 0 : i32
    %run_scoped3A_5 = arith.constant 0 : i32
    "tpu.region"() ({
      %run_scoped3A_54 = tpu.sem_alloc : memref<!tpu.dma_semaphore, #tpu.memory_space<semaphore_mem>>
      %dma_start3A_55 = arith.constant 0 : i32
      %dma_start3A_56 = tpu.memref_slice %arg6[%run_scoped3A_5, %dma_start3A_55] : memref<4x16xi32, #tpu.memory_space<vmem>> -> memref<1x16xi32, #tpu.memory_space<vmem>>
      %dma_start3A_57 = tpu.memref_squeeze %dma_start3A_56 : memref<1x16xi32, #tpu.memory_space<vmem>> -> memref<16xi32, #tpu.memory_space<vmem>>
      %dma_start3A_58 = tpu.memref_slice %arg2[%run_scoped3A, %add3A_4] : memref<4x4096xi32, #tpu.memory_space<hbm>> -> memref<1x16xi32, #tpu.memory_space<hbm>>
      %dma_start3A_59 = tpu.memref_squeeze %dma_start3A_58 : memref<1x16xi32, #tpu.memory_space<hbm>> -> memref<16xi32, #tpu.memory_space<hbm>>
      %dma_start3A_60 = arith.constant 0 : i32
      %dma_start3A_61 = tpu.memref_slice %arg6[%run_scoped3A_5, %dma_start3A_60] : memref<4x16xi32, #tpu.memory_space<vmem>> -> memref<1x16xi32, #tpu.memory_space<vmem>>
      %dma_start3A_62 = tpu.memref_squeeze %dma_start3A_61 : memref<1x16xi32, #tpu.memory_space<vmem>> -> memref<16xi32, #tpu.memory_space<vmem>>
      %dma_start3A_63 = tpu.memref_slice %arg2[%run_scoped3A, %add3A_4] : memref<4x4096xi32, #tpu.memory_space<hbm>> -> memref<1x16xi32, #tpu.memory_space<hbm>>
      %dma_start3A_64 = tpu.memref_squeeze %dma_start3A_63 : memref<1x16xi32, #tpu.memory_space<hbm>> -> memref<16xi32, #tpu.memory_space<hbm>>
      tpu.enqueue_dma source(%dma_start3A_64 : memref<16xi32, #tpu.memory_space<hbm>>) target(%dma_start3A_62 : memref<16xi32, #tpu.memory_space<vmem>>) target_semaphore(%run_scoped3A_54 : memref<!tpu.dma_semaphore, #tpu.memory_space<semaphore_mem>>)
      %dma_wait3A_65 = arith.constant 0 : i32
      %dma_wait3A_66 = tpu.memref_slice %arg6[%run_scoped3A_5, %dma_wait3A_65] : memref<4x16xi32, #tpu.memory_space<vmem>> -> memref<1x16xi32, #tpu.memory_space<vmem>>
      %dma_wait3A_67 = tpu.memref_squeeze %dma_wait3A_66 : memref<1x16xi32, #tpu.memory_space<vmem>> -> memref<16xi32, #tpu.memory_space<vmem>>
      %dma_wait3A_68 = tpu.memref_slice %arg2[%run_scoped3A, %add3A_4] : memref<4x4096xi32, #tpu.memory_space<hbm>> -> memref<1x16xi32, #tpu.memory_space<hbm>>
      %dma_wait3A_69 = tpu.memref_squeeze %dma_wait3A_68 : memref<1x16xi32, #tpu.memory_space<hbm>> -> memref<16xi32, #tpu.memory_space<hbm>>
      %dma_wait3A_70 = arith.constant 0 : i32
      %dma_wait3A_71 = tpu.memref_slice %arg6[%run_scoped3A_5, %dma_wait3A_70] : memref<4x16xi32, #tpu.memory_space<vmem>> -> memref<1x16xi32, #tpu.memory_space<vmem>>
      %dma_wait3A_72 = tpu.memref_squeeze %dma_wait3A_71 : memref<1x16xi32, #tpu.memory_space<vmem>> -> memref<16xi32, #tpu.memory_space<vmem>>
      %dma_wait3A_73 = tpu.memref_slice %arg2[%run_scoped3A, %add3A_4] : memref<4x4096xi32, #tpu.memory_space<hbm>> -> memref<1x16xi32, #tpu.memory_space<hbm>>
      %dma_wait3A_74 = tpu.memref_squeeze %dma_wait3A_73 : memref<1x16xi32, #tpu.memory_space<hbm>> -> memref<16xi32, #tpu.memory_space<hbm>>
      tpu.wait_dma2 semaphore(%run_scoped3A_54 : memref<!tpu.dma_semaphore, #tpu.memory_space<semaphore_mem>>) src(%dma_wait3A_74 : memref<16xi32, #tpu.memory_space<hbm>>) dst(%dma_wait3A_72 : memref<16xi32, #tpu.memory_space<vmem>>)
      tpu.yield
    }) : () -> ()
    %dma_start3A = arith.constant 0 : i32
    %dma_start3A_6 = arith.constant 0 : i32
    %dma_start3A_7 = tpu.memref_slice %arg6[%dma_start3A, %dma_start3A_6] : memref<4x16xi32, #tpu.memory_space<vmem>> -> memref<1x16xi32, #tpu.memory_space<vmem>>
    %dma_start3A_8 = tpu.memref_squeeze %dma_start3A_7 : memref<1x16xi32, #tpu.memory_space<vmem>> -> memref<16xi32, #tpu.memory_space<vmem>>
    %dma_start3A_9 = arith.constant 0 : i32
    %dma_start3A_10 = arith.constant 0 : i32
    %dma_start3A_11 = tpu.memref_slice %arg4[%dma_start3A_9, %dma_start3A_10] : memref<100000x1024xf32, #tpu.memory_space<hbm>> -> memref<100000x1024xf32, #tpu.memory_space<hbm>>
    tpu.enqueue_indirect_dma source(%dma_start3A_11 : memref<100000x1024xf32, #tpu.memory_space<hbm>>) target(%arg8 : memref<16x1024xf32, #tpu.memory_space<vmem>>) offsets(%dma_start3A_8 : memref<16xi32, #tpu.memory_space<vmem>>) semaphore(%arg12 : memref<!tpu.dma_semaphore, #tpu.memory_space<semaphore_mem>>)
    %add3A_12 = arith.constant 0 : i32
    %add3A_13 = arith.addi %mul3A_2, %add3A_12 : i32
    %run_scoped3A_14 = arith.constant 1 : i32
    %run_scoped3A_15 = arith.constant 1 : i32
    "tpu.region"() ({
      %run_scoped3A_54 = tpu.sem_alloc : memref<!tpu.dma_semaphore, #tpu.memory_space<semaphore_mem>>
      %dma_start3A_55 = arith.constant 0 : i32
      %dma_start3A_56 = tpu.memref_slice %arg6[%run_scoped3A_15, %dma_start3A_55] : memref<4x16xi32, #tpu.memory_space<vmem>> -> memref<1x16xi32, #tpu.memory_space<vmem>>
      %dma_start3A_57 = tpu.memref_squeeze %dma_start3A_56 : memref<1x16xi32, #tpu.memory_space<vmem>> -> memref<16xi32, #tpu.memory_space<vmem>>
      %dma_start3A_58 = tpu.memref_slice %arg2[%run_scoped3A_14, %add3A_13] : memref<4x4096xi32, #tpu.memory_space<hbm>> -> memref<1x16xi32, #tpu.memory_space<hbm>>
      %dma_start3A_59 = tpu.memref_squeeze %dma_start3A_58 : memref<1x16xi32, #tpu.memory_space<hbm>> -> memref<16xi32, #tpu.memory_space<hbm>>
      %dma_start3A_60 = arith.constant 0 : i32
      %dma_start3A_61 = tpu.memref_slice %arg6[%run_scoped3A_15, %dma_start3A_60] : memref<4x16xi32, #tpu.memory_space<vmem>> -> memref<1x16xi32, #tpu.memory_space<vmem>>
      %dma_start3A_62 = tpu.memref_squeeze %dma_start3A_61 : memref<1x16xi32, #tpu.memory_space<vmem>> -> memref<16xi32, #tpu.memory_space<vmem>>
      %dma_start3A_63 = tpu.memref_slice %arg2[%run_scoped3A_14, %add3A_13] : memref<4x4096xi32, #tpu.memory_space<hbm>> -> memref<1x16xi32, #tpu.memory_space<hbm>>
      %dma_start3A_64 = tpu.memref_squeeze %dma_start3A_63 : memref<1x16xi32, #tpu.memory_space<hbm>> -> memref<16xi32, #tpu.memory_space<hbm>>
      tpu.enqueue_dma source(%dma_start3A_64 : memref<16xi32, #tpu.memory_space<hbm>>) target(%dma_start3A_62 : memref<16xi32, #tpu.memory_space<vmem>>) target_semaphore(%run_scoped3A_54 : memref<!tpu.dma_semaphore, #tpu.memory_space<semaphore_mem>>)
      %dma_wait3A_65 = arith.constant 0 : i32
      %dma_wait3A_66 = tpu.memref_slice %arg6[%run_scoped3A_15, %dma_wait3A_65] : memref<4x16xi32, #tpu.memory_space<vmem>> -> memref<1x16xi32, #tpu.memory_space<vmem>>
      %dma_wait3A_67 = tpu.memref_squeeze %dma_wait3A_66 : memref<1x16xi32, #tpu.memory_space<vmem>> -> memref<16xi32, #tpu.memory_space<vmem>>
      %dma_wait3A_68 = tpu.memref_slice %arg2[%run_scoped3A_14, %add3A_13] : memref<4x4096xi32, #tpu.memory_space<hbm>> -> memref<1x16xi32, #tpu.memory_space<hbm>>
      %dma_wait3A_69 = tpu.memref_squeeze %dma_wait3A_68 : memref<1x16xi32, #tpu.memory_space<hbm>> -> memref<16xi32, #tpu.memory_space<hbm>>
      %dma_wait3A_70 = arith.constant 0 : i32
      %dma_wait3A_71 = tpu.memref_slice %arg6[%run_scoped3A_15, %dma_wait3A_70] : memref<4x16xi32, #tpu.memory_space<vmem>> -> memref<1x16xi32, #tpu.memory_space<vmem>>
      %dma_wait3A_72 = tpu.memref_squeeze %dma_wait3A_71 : memref<1x16xi32, #tpu.memory_space<vmem>> -> memref<16xi32, #tpu.memory_space<vmem>>
      %dma_wait3A_73 = tpu.memref_slice %arg2[%run_scoped3A_14, %add3A_13] : memref<4x4096xi32, #tpu.memory_space<hbm>> -> memref<1x16xi32, #tpu.memory_space<hbm>>
      %dma_wait3A_74 = tpu.memref_squeeze %dma_wait3A_73 : memref<1x16xi32, #tpu.memory_space<hbm>> -> memref<16xi32, #tpu.memory_space<hbm>>
      tpu.wait_dma2 semaphore(%run_scoped3A_54 : memref<!tpu.dma_semaphore, #tpu.memory_space<semaphore_mem>>) src(%dma_wait3A_74 : memref<16xi32, #tpu.memory_space<hbm>>) dst(%dma_wait3A_72 : memref<16xi32, #tpu.memory_space<vmem>>)
      tpu.yield
    }) : () -> ()
    %dma_start3A_16 = arith.constant 1 : i32
    %dma_start3A_17 = arith.constant 0 : i32
    %dma_start3A_18 = tpu.memref_slice %arg6[%dma_start3A_16, %dma_start3A_17] : memref<4x16xi32, #tpu.memory_space<vmem>> -> memref<1x16xi32, #tpu.memory_space<vmem>>
    %dma_start3A_19 = tpu.memref_squeeze %dma_start3A_18 : memref<1x16xi32, #tpu.memory_space<vmem>> -> memref<16xi32, #tpu.memory_space<vmem>>
    %dma_start3A_20 = arith.constant 0 : i32
    %dma_start3A_21 = arith.constant 0 : i32
    %dma_start3A_22 = tpu.memref_slice %arg4[%dma_start3A_20, %dma_start3A_21] : memref<100000x1024xf32, #tpu.memory_space<hbm>> -> memref<100000x1024xf32, #tpu.memory_space<hbm>>
    tpu.enqueue_indirect_dma source(%dma_start3A_22 : memref<100000x1024xf32, #tpu.memory_space<hbm>>) target(%arg9 : memref<16x1024xf32, #tpu.memory_space<vmem>>) offsets(%dma_start3A_19 : memref<16xi32, #tpu.memory_space<vmem>>) semaphore(%arg13 : memref<!tpu.dma_semaphore, #tpu.memory_space<semaphore_mem>>)
    %scan3A = arith.constant 0 : i32
    %scan3A_23 = arith.constant 0 : i32
    %scan3A_24 = arith.constant 8 : i32
    %scan3A_25 = arith.addi %scan3A_23, %scan3A_24 : i32
    %scan3A_26 = arith.constant 1 : i32
    scf.for %scan3A_54 = %scan3A_23 to %scan3A_25 step %scan3A_26  : i32 {
      %dma_wait3A_55 = arith.constant 0 : i32
      %dma_wait3A_56 = arith.constant 0 : i32
      %dma_wait3A_57 = tpu.memref_slice %arg6[%dma_wait3A_55, %dma_wait3A_56] : memref<4x16xi32, #tpu.memory_space<vmem>> -> memref<1x16xi32, #tpu.memory_space<vmem>>
      %dma_wait3A_58 = tpu.memref_squeeze %dma_wait3A_57 : memref<1x16xi32, #tpu.memory_space<vmem>> -> memref<16xi32, #tpu.memory_space<vmem>>
      %dma_wait3A_59 = arith.constant 0 : i32
      %dma_wait3A_60 = arith.constant 0 : i32
      %dma_wait3A_61 = tpu.memref_slice %arg4[%dma_wait3A_59, %dma_wait3A_60] : memref<100000x1024xf32, #tpu.memory_space<hbm>> -> memref<100000x1024xf32, #tpu.memory_space<hbm>>
      tpu.wait_indirect_dma semaphore(%arg12 : memref<!tpu.dma_semaphore, #tpu.memory_space<semaphore_mem>>) src(%dma_wait3A_61 : memref<100000x1024xf32, #tpu.memory_space<hbm>>) dst(%arg8 : memref<16x1024xf32, #tpu.memory_space<vmem>>)
      %mul3A_62 = arith.constant 16 : i32
      %mul3A_63 = arith.muli %scan3A_54, %mul3A_62 : i32
      %add3A_64 = arith.addi %mul3A_2, %mul3A_63 : i32
      "tpu.region"() ({
        %run_scoped3A_199 = tpu.sem_alloc : memref<!tpu.dma_semaphore, #tpu.memory_space<semaphore_mem>>
        %dma_start3A_200 = arith.constant 0 : i32
        %dma_start3A_201 = tpu.memref_slice %arg3[%add3A_64, %dma_start3A_200] : memref<4096x1024xf32, #tpu.memory_space<hbm>> -> memref<16x1024xf32, #tpu.memory_space<hbm>>
        %dma_start3A_202 = arith.constant 0 : i32
        %dma_start3A_203 = tpu.memref_slice %arg3[%add3A_64, %dma_start3A_202] : memref<4096x1024xf32, #tpu.memory_space<hbm>> -> memref<16x1024xf32, #tpu.memory_space<hbm>>
        tpu.enqueue_dma source(%dma_start3A_203 : memref<16x1024xf32, #tpu.memory_space<hbm>>) target(%arg7 : memref<16x1024xf32, #tpu.memory_space<vmem>>) target_semaphore(%run_scoped3A_199 : memref<!tpu.dma_semaphore, #tpu.memory_space<semaphore_mem>>)
        %dma_wait3A_204 = arith.constant 0 : i32
        %dma_wait3A_205 = tpu.memref_slice %arg3[%add3A_64, %dma_wait3A_204] : memref<4096x1024xf32, #tpu.memory_space<hbm>> -> memref<16x1024xf32, #tpu.memory_space<hbm>>
        %dma_wait3A_206 = arith.constant 0 : i32
        %dma_wait3A_207 = tpu.memref_slice %arg3[%add3A_64, %dma_wait3A_206] : memref<4096x1024xf32, #tpu.memory_space<hbm>> -> memref<16x1024xf32, #tpu.memory_space<hbm>>
        tpu.wait_dma2 semaphore(%run_scoped3A_199 : memref<!tpu.dma_semaphore, #tpu.memory_space<semaphore_mem>>) src(%dma_wait3A_207 : memref<16x1024xf32, #tpu.memory_space<hbm>>) dst(%arg7 : memref<16x1024xf32, #tpu.memory_space<vmem>>)
        tpu.yield
      }) : () -> ()
      %scan3A_65 = arith.constant 0 : i32
      %scan3A_66 = arith.constant 0 : i32
      %scan3A_67 = arith.constant 1024 : i32
      %scan3A_68 = arith.addi %scan3A_66, %scan3A_67 : i32
      %scan3A_69 = arith.constant 4 : i32
      scf.for %scan3A_199 = %scan3A_66 to %scan3A_68 step %scan3A_69  : i32 {
        %jit3A = arith.constant 64 : i32
        %div3A = arith.divsi %scan3A_199, %jit3A : i32
        %sign3A = arith.constant 0 : i32
        %sign3A_200 = arith.cmpi sgt, %scan3A_199, %sign3A : i32
        %sign3A_201 = arith.extui %sign3A_200 : i1 to i32
        %sign3A_202 = arith.constant 0 : i32
        %sign3A_203 = arith.cmpi slt, %scan3A_199, %sign3A_202 : i32
        %sign3A_204 = arith.extui %sign3A_203 : i1 to i32
        %sign3A_205 = arith.subi %sign3A_201, %sign3A_204 : i32
        %sign3A_206 = arith.constant 0 : i32
        %sign3A_207 = arith.cmpi sgt, %jit3A, %sign3A_206 : i32
        %sign3A_208 = arith.extui %sign3A_207 : i1 to i32
        %sign3A_209 = arith.constant 0 : i32
        %sign3A_210 = arith.cmpi slt, %jit3A, %sign3A_209 : i32
        %sign3A_211 = arith.extui %sign3A_210 : i1 to i32
        %sign3A_212 = arith.subi %sign3A_208, %sign3A_211 : i32
        %ne3A = arith.cmpi ne, %sign3A_205, %sign3A_212 : i32
        %rem3A = arith.remsi %scan3A_199, %jit3A : i32
        %ne3A_213 = arith.constant 0 : i32
        %ne3A_214 = arith.cmpi ne, %rem3A, %ne3A_213 : i32
        %and3A = arith.andi %ne3A, %ne3A_214 : i1
        %sub3A = arith.constant 1 : i32
        %sub3A_215 = arith.subi %div3A, %sub3A : i32
        %select_n3A = arith.select %and3A, %sub3A_215, %div3A : i32
        %jit3A_216 = arith.constant 64 : i32
        %eq3A = arith.constant 0 : i32
        %eq3A_217 = arith.cmpi eq, %jit3A_216, %eq3A : i32
        %jit3A_218 = arith.constant 1 : i32
        %select_n3A_219 = arith.select %eq3A_217, %jit3A_218, %jit3A_216 : i32
        %rem3A_220 = arith.remsi %scan3A_199, %select_n3A_219 : i32
        %ne3A_221 = arith.constant 0 : i32
        %ne3A_222 = arith.cmpi ne, %rem3A_220, %ne3A_221 : i32
        %lt3A_223 = arith.constant 0 : i32
        %lt3A_224 = arith.cmpi slt, %rem3A_220, %lt3A_223 : i32
        %lt3A_225 = arith.constant 0 : i32
        %lt3A_226 = arith.cmpi slt, %select_n3A_219, %lt3A_225 : i32
        %ne3A_227 = arith.xori %lt3A_224, %lt3A_226 : i1
        %and3A_228 = arith.andi %ne3A_227, %ne3A_222 : i1
        %add3A_229 = arith.addi %rem3A_220, %select_n3A_219 : i32
        %select_n3A_230 = arith.select %and3A_228, %add3A_229, %rem3A_220 : i32
        %mul3A_231 = arith.constant 16 : i32
        %mul3A_232 = arith.muli %select_n3A_230, %mul3A_231 : i32
        %get3A = arith.index_cast %select_n3A : i32 to index
        %get3A_233 = arith.index_cast %mul3A_232 : i32 to index
        %get3A_234 = tpu.vector_load %arg7[%get3A, %get3A_233] {strides = array<i32>} : memref<16x1024xf32, #tpu.memory_space<vmem>>, vector<1x16xf32>,
        %get3A_235 = vector.shape_cast %get3A_234 : vector<1x16xf32> to vector<16xf32>
        %swap3A = arith.index_cast %select_n3A : i32 to index
        %swap3A_236 = arith.index_cast %mul3A_232 : i32 to index
        %swap3A_237 = tpu.vector_load %arg8[%swap3A, %swap3A_236] {strides = array<i32>} : memref<16x1024xf32, #tpu.memory_space<vmem>>, vector<1x16xf32>,
        %swap3A_238 = vector.shape_cast %swap3A_237 : vector<1x16xf32> to vector<16xf32>
        %swap3A_239 = vector.shape_cast %get3A_235 : vector<16xf32> to vector<1x16xf32>
        tpu.vector_store %arg8[%swap3A, %swap3A_236], %swap3A_239 {add = true, strides = array<i32>} : memref<16x1024xf32, #tpu.memory_space<vmem>>, vector<1x16xf32>,
        %scan3A_240 = arith.constant 1 : i32
        %scan3A_241 = arith.addi %scan3A_199, %scan3A_240 : i32
        %jit3A_242 = arith.constant 64 : i32
        %div3A_243 = arith.divsi %scan3A_241, %jit3A_242 : i32
        %sign3A_244 = arith.constant 0 : i32
        %sign3A_245 = arith.cmpi sgt, %scan3A_241, %sign3A_244 : i32
        %sign3A_246 = arith.extui %sign3A_245 : i1 to i32
        %sign3A_247 = arith.constant 0 : i32
        %sign3A_248 = arith.cmpi slt, %scan3A_241, %sign3A_247 : i32
        %sign3A_249 = arith.extui %sign3A_248 : i1 to i32
        %sign3A_250 = arith.subi %sign3A_246, %sign3A_249 : i32
        %sign3A_251 = arith.constant 0 : i32
        %sign3A_252 = arith.cmpi sgt, %jit3A_242, %sign3A_251 : i32
        %sign3A_253 = arith.extui %sign3A_252 : i1 to i32
        %sign3A_254 = arith.constant 0 : i32
        %sign3A_255 = arith.cmpi slt, %jit3A_242, %sign3A_254 : i32
        %sign3A_256 = arith.extui %sign3A_255 : i1 to i32
        %sign3A_257 = arith.subi %sign3A_253, %sign3A_256 : i32
        %ne3A_258 = arith.cmpi ne, %sign3A_250, %sign3A_257 : i32
        %rem3A_259 = arith.remsi %scan3A_241, %jit3A_242 : i32
        %ne3A_260 = arith.constant 0 : i32
        %ne3A_261 = arith.cmpi ne, %rem3A_259, %ne3A_260 : i32
        %and3A_262 = arith.andi %ne3A_258, %ne3A_261 : i1
        %sub3A_263 = arith.constant 1 : i32
        %sub3A_264 = arith.subi %div3A_243, %sub3A_263 : i32
        %select_n3A_265 = arith.select %and3A_262, %sub3A_264, %div3A_243 : i32
        %jit3A_266 = arith.constant 64 : i32
        %eq3A_267 = arith.constant 0 : i32
        %eq3A_268 = arith.cmpi eq, %jit3A_266, %eq3A_267 : i32
        %jit3A_269 = arith.constant 1 : i32
        %select_n3A_270 = arith.select %eq3A_268, %jit3A_269, %jit3A_266 : i32
        %rem3A_271 = arith.remsi %scan3A_241, %select_n3A_270 : i32
        %ne3A_272 = arith.constant 0 : i32
        %ne3A_273 = arith.cmpi ne, %rem3A_271, %ne3A_272 : i32
        %lt3A_274 = arith.constant 0 : i32
        %lt3A_275 = arith.cmpi slt, %rem3A_271, %lt3A_274 : i32
        %lt3A_276 = arith.constant 0 : i32
        %lt3A_277 = arith.cmpi slt, %select_n3A_270, %lt3A_276 : i32
        %ne3A_278 = arith.xori %lt3A_275, %lt3A_277 : i1
        %and3A_279 = arith.andi %ne3A_278, %ne3A_273 : i1
        %add3A_280 = arith.addi %rem3A_271, %select_n3A_270 : i32
        %select_n3A_281 = arith.select %and3A_279, %add3A_280, %rem3A_271 : i32
        %mul3A_282 = arith.constant 16 : i32
        %mul3A_283 = arith.muli %select_n3A_281, %mul3A_282 : i32
        %get3A_284 = arith.index_cast %select_n3A_265 : i32 to index
        %get3A_285 = arith.index_cast %mul3A_283 : i32 to index
        %get3A_286 = tpu.vector_load %arg7[%get3A_284, %get3A_285] {strides = array<i32>} : memref<16x1024xf32, #tpu.memory_space<vmem>>, vector<1x16xf32>,
        %get3A_287 = vector.shape_cast %get3A_286 : vector<1x16xf32> to vector<16xf32>
        %swap3A_288 = arith.index_cast %select_n3A_265 : i32 to index
        %swap3A_289 = arith.index_cast %mul3A_283 : i32 to index
        %swap3A_290 = tpu.vector_load %arg8[%swap3A_288, %swap3A_289] {strides = array<i32>} : memref<16x1024xf32, #tpu.memory_space<vmem>>, vector<1x16xf32>,
        %swap3A_291 = vector.shape_cast %swap3A_290 : vector<1x16xf32> to vector<16xf32>
        %swap3A_292 = vector.shape_cast %get3A_287 : vector<16xf32> to vector<1x16xf32>
        tpu.vector_store %arg8[%swap3A_288, %swap3A_289], %swap3A_292 {add = true, strides = array<i32>} : memref<16x1024xf32, #tpu.memory_space<vmem>>, vector<1x16xf32>,
        %scan3A_293 = arith.constant 2 : i32
        %scan3A_294 = arith.addi %scan3A_199, %scan3A_293 : i32
        %jit3A_295 = arith.constant 64 : i32
        %div3A_296 = arith.divsi %scan3A_294, %jit3A_295 : i32
        %sign3A_297 = arith.constant 0 : i32
        %sign3A_298 = arith.cmpi sgt, %scan3A_294, %sign3A_297 : i32
        %sign3A_299 = arith.extui %sign3A_298 : i1 to i32
        %sign3A_300 = arith.constant 0 : i32
        %sign3A_301 = arith.cmpi slt, %scan3A_294, %sign3A_300 : i32
        %sign3A_302 = arith.extui %sign3A_301 : i1 to i32
        %sign3A_303 = arith.subi %sign3A_299, %sign3A_302 : i32
        %sign3A_304 = arith.constant 0 : i32
        %sign3A_305 = arith.cmpi sgt, %jit3A_295, %sign3A_304 : i32
        %sign3A_306 = arith.extui %sign3A_305 : i1 to i32
        %sign3A_307 = arith.constant 0 : i32
        %sign3A_308 = arith.cmpi slt, %jit3A_295, %sign3A_307 : i32
        %sign3A_309 = arith.extui %sign3A_308 : i1 to i32
        %sign3A_310 = arith.subi %sign3A_306, %sign3A_309 : i32
        %ne3A_311 = arith.cmpi ne, %sign3A_303, %sign3A_310 : i32
        %rem3A_312 = arith.remsi %scan3A_294, %jit3A_295 : i32
        %ne3A_313 = arith.constant 0 : i32
        %ne3A_314 = arith.cmpi ne, %rem3A_312, %ne3A_313 : i32
        %and3A_315 = arith.andi %ne3A_311, %ne3A_314 : i1
        %sub3A_316 = arith.constant 1 : i32
        %sub3A_317 = arith.subi %div3A_296, %sub3A_316 : i32
        %select_n3A_318 = arith.select %and3A_315, %sub3A_317, %div3A_296 : i32
        %jit3A_319 = arith.constant 64 : i32
        %eq3A_320 = arith.constant 0 : i32
        %eq3A_321 = arith.cmpi eq, %jit3A_319, %eq3A_320 : i32
        %jit3A_322 = arith.constant 1 : i32
        %select_n3A_323 = arith.select %eq3A_321, %jit3A_322, %jit3A_319 : i32
        %rem3A_324 = arith.remsi %scan3A_294, %select_n3A_323 : i32
        %ne3A_325 = arith.constant 0 : i32
        %ne3A_326 = arith.cmpi ne, %rem3A_324, %ne3A_325 : i32
        %lt3A_327 = arith.constant 0 : i32
        %lt3A_328 = arith.cmpi slt, %rem3A_324, %lt3A_327 : i32
        %lt3A_329 = arith.constant 0 : i32
        %lt3A_330 = arith.cmpi slt, %select_n3A_323, %lt3A_329 : i32
        %ne3A_331 = arith.xori %lt3A_328, %lt3A_330 : i1
        %and3A_332 = arith.andi %ne3A_331, %ne3A_326 : i1
        %add3A_333 = arith.addi %rem3A_324, %select_n3A_323 : i32
        %select_n3A_334 = arith.select %and3A_332, %add3A_333, %rem3A_324 : i32
        %mul3A_335 = arith.constant 16 : i32
        %mul3A_336 = arith.muli %select_n3A_334, %mul3A_335 : i32
        %get3A_337 = arith.index_cast %select_n3A_318 : i32 to index
        %get3A_338 = arith.index_cast %mul3A_336 : i32 to index
        %get3A_339 = tpu.vector_load %arg7[%get3A_337, %get3A_338] {strides = array<i32>} : memref<16x1024xf32, #tpu.memory_space<vmem>>, vector<1x16xf32>,
        %get3A_340 = vector.shape_cast %get3A_339 : vector<1x16xf32> to vector<16xf32>
        %swap3A_341 = arith.index_cast %select_n3A_318 : i32 to index
        %swap3A_342 = arith.index_cast %mul3A_336 : i32 to index
        %swap3A_343 = tpu.vector_load %arg8[%swap3A_341, %swap3A_342] {strides = array<i32>} : memref<16x1024xf32, #tpu.memory_space<vmem>>, vector<1x16xf32>,
        %swap3A_344 = vector.shape_cast %swap3A_343 : vector<1x16xf32> to vector<16xf32>
        %swap3A_345 = vector.shape_cast %get3A_340 : vector<16xf32> to vector<1x16xf32>
        tpu.vector_store %arg8[%swap3A_341, %swap3A_342], %swap3A_345 {add = true, strides = array<i32>} : memref<16x1024xf32, #tpu.memory_space<vmem>>, vector<1x16xf32>,
        %scan3A_346 = arith.constant 3 : i32
        %scan3A_347 = arith.addi %scan3A_199, %scan3A_346 : i32
        %jit3A_348 = arith.constant 64 : i32
        %div3A_349 = arith.divsi %scan3A_347, %jit3A_348 : i32
        %sign3A_350 = arith.constant 0 : i32
        %sign3A_351 = arith.cmpi sgt, %scan3A_347, %sign3A_350 : i32
        %sign3A_352 = arith.extui %sign3A_351 : i1 to i32
        %sign3A_353 = arith.constant 0 : i32
        %sign3A_354 = arith.cmpi slt, %scan3A_347, %sign3A_353 : i32
        %sign3A_355 = arith.extui %sign3A_354 : i1 to i32
        %sign3A_356 = arith.subi %sign3A_352, %sign3A_355 : i32
        %sign3A_357 = arith.constant 0 : i32
        %sign3A_358 = arith.cmpi sgt, %jit3A_348, %sign3A_357 : i32
        %sign3A_359 = arith.extui %sign3A_358 : i1 to i32
        %sign3A_360 = arith.constant 0 : i32
        %sign3A_361 = arith.cmpi slt, %jit3A_348, %sign3A_360 : i32
        %sign3A_362 = arith.extui %sign3A_361 : i1 to i32
        %sign3A_363 = arith.subi %sign3A_359, %sign3A_362 : i32
        %ne3A_364 = arith.cmpi ne, %sign3A_356, %sign3A_363 : i32
        %rem3A_365 = arith.remsi %scan3A_347, %jit3A_348 : i32
        %ne3A_366 = arith.constant 0 : i32
        %ne3A_367 = arith.cmpi ne, %rem3A_365, %ne3A_366 : i32
        %and3A_368 = arith.andi %ne3A_364, %ne3A_367 : i1
        %sub3A_369 = arith.constant 1 : i32
        %sub3A_370 = arith.subi %div3A_349, %sub3A_369 : i32
        %select_n3A_371 = arith.select %and3A_368, %sub3A_370, %div3A_349 : i32
        %jit3A_372 = arith.constant 64 : i32
        %eq3A_373 = arith.constant 0 : i32
        %eq3A_374 = arith.cmpi eq, %jit3A_372, %eq3A_373 : i32
        %jit3A_375 = arith.constant 1 : i32
        %select_n3A_376 = arith.select %eq3A_374, %jit3A_375, %jit3A_372 : i32
        %rem3A_377 = arith.remsi %scan3A_347, %select_n3A_376 : i32
        %ne3A_378 = arith.constant 0 : i32
        %ne3A_379 = arith.cmpi ne, %rem3A_377, %ne3A_378 : i32
        %lt3A_380 = arith.constant 0 : i32
        %lt3A_381 = arith.cmpi slt, %rem3A_377, %lt3A_380 : i32
        %lt3A_382 = arith.constant 0 : i32
        %lt3A_383 = arith.cmpi slt, %select_n3A_376, %lt3A_382 : i32
        %ne3A_384 = arith.xori %lt3A_381, %lt3A_383 : i1
        %and3A_385 = arith.andi %ne3A_384, %ne3A_379 : i1
        %add3A_386 = arith.addi %rem3A_377, %select_n3A_376 : i32
        %select_n3A_387 = arith.select %and3A_385, %add3A_386, %rem3A_377 : i32
        %mul3A_388 = arith.constant 16 : i32
        %mul3A_389 = arith.muli %select_n3A_387, %mul3A_388 : i32
        %get3A_390 = arith.index_cast %select_n3A_371 : i32 to index
        %get3A_391 = arith.index_cast %mul3A_389 : i32 to index
        %get3A_392 = tpu.vector_load %arg7[%get3A_390, %get3A_391] {strides = array<i32>} : memref<16x1024xf32, #tpu.memory_space<vmem>>, vector<1x16xf32>,
        %get3A_393 = vector.shape_cast %get3A_392 : vector<1x16xf32> to vector<16xf32>
        %swap3A_394 = arith.index_cast %select_n3A_371 : i32 to index
        %swap3A_395 = arith.index_cast %mul3A_389 : i32 to index
        %swap3A_396 = tpu.vector_load %arg8[%swap3A_394, %swap3A_395] {strides = array<i32>} : memref<16x1024xf32, #tpu.memory_space<vmem>>, vector<1x16xf32>,
        %swap3A_397 = vector.shape_cast %swap3A_396 : vector<1x16xf32> to vector<16xf32>
        %swap3A_398 = vector.shape_cast %get3A_393 : vector<16xf32> to vector<1x16xf32>
        tpu.vector_store %arg8[%swap3A_394, %swap3A_395], %swap3A_398 {add = true, strides = array<i32>} : memref<16x1024xf32, #tpu.memory_space<vmem>>, vector<1x16xf32>,
      }
      %scan3A_70 = arith.constant 1024 : i32
      %mul3A_71 = arith.constant 16 : i32
      %mul3A_72 = arith.muli %scan3A_54, %mul3A_71 : i32
      %add3A_73 = arith.addi %mul3A_2, %mul3A_72 : i32
      %dma_start3A_74 = arith.constant 0 : i32
      %dma_start3A_75 = arith.constant 0 : i32
      %dma_start3A_76 = tpu.memref_slice %arg5[%dma_start3A_74, %add3A_73, %dma_start3A_75] : memref<4x4096x1024xf32, #tpu.memory_space<hbm>> -> memref<1x16x1024xf32, #tpu.memory_space<hbm>>
      %dma_start3A_77 = tpu.memref_squeeze %dma_start3A_76 : memref<1x16x1024xf32, #tpu.memory_space<hbm>> -> memref<16x1024xf32, #tpu.memory_space<hbm>>
      %dma_start3A_78 = arith.constant 0 : i32
      %dma_start3A_79 = tpu.memref_slice %arg5[%dma_start3A_74, %add3A_73, %dma_start3A_78] : memref<4x4096x1024xf32, #tpu.memory_space<hbm>> -> memref<1x16x1024xf32, #tpu.memory_space<hbm>>
      %dma_start3A_80 = tpu.memref_squeeze %dma_start3A_79 : memref<1x16x1024xf32, #tpu.memory_space<hbm>> -> memref<16x1024xf32, #tpu.memory_space<hbm>>
      tpu.enqueue_dma source(%arg8 : memref<16x1024xf32, #tpu.memory_space<vmem>>) target(%dma_start3A_80 : memref<16x1024xf32, #tpu.memory_space<hbm>>) target_semaphore(%arg16 : memref<!tpu.dma_semaphore, #tpu.memory_space<semaphore_mem>>)
      %gt3A = arith.constant 0 : i32
      %gt3A_81 = arith.cmpi sgt, %scan3A_54, %gt3A : i32
      %convert_element_type3A = arith.extui %gt3A_81 : i1 to i32
      %cond3A = arith.constant 0 : i32
      %cond3A_82 = arith.cmpi ne, %convert_element_type3A, %cond3A : i32
      scf.if %cond3A_82 {
        %sub3A = arith.constant 1 : i32
        %sub3A_199 = arith.subi %scan3A_54, %sub3A : i32
        %mul3A_200 = arith.constant 16 : i32
        %mul3A_201 = arith.muli %sub3A_199, %mul3A_200 : i32
        %add3A_202 = arith.addi %mul3A_2, %mul3A_201 : i32
        %dma_wait3A_203 = arith.constant 3 : i32
        %dma_wait3A_204 = arith.constant 0 : i32
        %dma_wait3A_205 = tpu.memref_slice %arg5[%dma_wait3A_203, %add3A_202, %dma_wait3A_204] : memref<4x4096x1024xf32, #tpu.memory_space<hbm>> -> memref<1x16x1024xf32, #tpu.memory_space<hbm>>
        %dma_wait3A_206 = tpu.memref_squeeze %dma_wait3A_205 : memref<1x16x1024xf32, #tpu.memory_space<hbm>> -> memref<16x1024xf32, #tpu.memory_space<hbm>>
        %dma_wait3A_207 = arith.constant 0 : i32
        %dma_wait3A_208 = tpu.memref_slice %arg5[%dma_wait3A_203, %add3A_202, %dma_wait3A_207] : memref<4x4096x1024xf32, #tpu.memory_space<hbm>> -> memref<1x16x1024xf32, #tpu.memory_space<hbm>>
        %dma_wait3A_209 = tpu.memref_squeeze %dma_wait3A_208 : memref<1x16x1024xf32, #tpu.memory_space<hbm>> -> memref<16x1024xf32, #tpu.memory_space<hbm>>
        tpu.wait_dma2 semaphore(%arg19 : memref<!tpu.dma_semaphore, #tpu.memory_space<semaphore_mem>>) src(%arg11 : memref<16x1024xf32, #tpu.memory_space<vmem>>) dst(%dma_wait3A_209 : memref<16x1024xf32, #tpu.memory_space<hbm>>)
      } else {
      }
      %mul3A_83 = arith.constant 16 : i32
      %mul3A_84 = arith.muli %scan3A_54, %mul3A_83 : i32
      %add3A_85 = arith.addi %mul3A_2, %mul3A_84 : i32
      %run_scoped3A_86 = arith.constant 2 : i32
      %run_scoped3A_87 = arith.constant 2 : i32
      "tpu.region"() ({
        %run_scoped3A_199 = tpu.sem_alloc : memref<!tpu.dma_semaphore, #tpu.memory_space<semaphore_mem>>
        %dma_start3A_200 = arith.constant 0 : i32
        %dma_start3A_201 = tpu.memref_slice %arg6[%run_scoped3A_87, %dma_start3A_200] : memref<4x16xi32, #tpu.memory_space<vmem>> -> memref<1x16xi32, #tpu.memory_space<vmem>>
        %dma_start3A_202 = tpu.memref_squeeze %dma_start3A_201 : memref<1x16xi32, #tpu.memory_space<vmem>> -> memref<16xi32, #tpu.memory_space<vmem>>
        %dma_start3A_203 = tpu.memref_slice %arg2[%run_scoped3A_86, %add3A_85] : memref<4x4096xi32, #tpu.memory_space<hbm>> -> memref<1x16xi32, #tpu.memory_space<hbm>>
        %dma_start3A_204 = tpu.memref_squeeze %dma_start3A_203 : memref<1x16xi32, #tpu.memory_space<hbm>> -> memref<16xi32, #tpu.memory_space<hbm>>
        %dma_start3A_205 = arith.constant 0 : i32
        %dma_start3A_206 = tpu.memref_slice %arg6[%run_scoped3A_87, %dma_start3A_205] : memref<4x16xi32, #tpu.memory_space<vmem>> -> memref<1x16xi32, #tpu.memory_space<vmem>>
        %dma_start3A_207 = tpu.memref_squeeze %dma_start3A_206 : memref<1x16xi32, #tpu.memory_space<vmem>> -> memref<16xi32, #tpu.memory_space<vmem>>
        %dma_start3A_208 = tpu.memref_slice %arg2[%run_scoped3A_86, %add3A_85] : memref<4x4096xi32, #tpu.memory_space<hbm>> -> memref<1x16xi32, #tpu.memory_space<hbm>>
        %dma_start3A_209 = tpu.memref_squeeze %dma_start3A_208 : memref<1x16xi32, #tpu.memory_space<hbm>> -> memref<16xi32, #tpu.memory_space<hbm>>
        tpu.enqueue_dma source(%dma_start3A_209 : memref<16xi32, #tpu.memory_space<hbm>>) target(%dma_start3A_207 : memref<16xi32, #tpu.memory_space<vmem>>) target_semaphore(%run_scoped3A_199 : memref<!tpu.dma_semaphore, #tpu.memory_space<semaphore_mem>>)
        %dma_wait3A_210 = arith.constant 0 : i32
        %dma_wait3A_211 = tpu.memref_slice %arg6[%run_scoped3A_87, %dma_wait3A_210] : memref<4x16xi32, #tpu.memory_space<vmem>> -> memref<1x16xi32, #tpu.memory_space<vmem>>
        %dma_wait3A_212 = tpu.memref_squeeze %dma_wait3A_211 : memref<1x16xi32, #tpu.memory_space<vmem>> -> memref<16xi32, #tpu.memory_space<vmem>>
        %dma_wait3A_213 = tpu.memref_slice %arg2[%run_scoped3A_86, %add3A_85] : memref<4x4096xi32, #tpu.memory_space<hbm>> -> memref<1x16xi32, #tpu.memory_space<hbm>>
        %dma_wait3A_214 = tpu.memref_squeeze %dma_wait3A_213 : memref<1x16xi32, #tpu.memory_space<hbm>> -> memref<16xi32, #tpu.memory_space<hbm>>
        %dma_wait3A_215 = arith.constant 0 : i32
        %dma_wait3A_216 = tpu.memref_slice %arg6[%run_scoped3A_87, %dma_wait3A_215] : memref<4x16xi32, #tpu.memory_space<vmem>> -> memref<1x16xi32, #tpu.memory_space<vmem>>
        %dma_wait3A_217 = tpu.memref_squeeze %dma_wait3A_216 : memref<1x16xi32, #tpu.memory_space<vmem>> -> memref<16xi32, #tpu.memory_space<vmem>>
        %dma_wait3A_218 = tpu.memref_slice %arg2[%run_scoped3A_86, %add3A_85] : memref<4x4096xi32, #tpu.memory_space<hbm>> -> memref<1x16xi32, #tpu.memory_space<hbm>>
        %dma_wait3A_219 = tpu.memref_squeeze %dma_wait3A_218 : memref<1x16xi32, #tpu.memory_space<hbm>> -> memref<16xi32, #tpu.memory_space<hbm>>
        tpu.wait_dma2 semaphore(%run_scoped3A_199 : memref<!tpu.dma_semaphore, #tpu.memory_space<semaphore_mem>>) src(%dma_wait3A_219 : memref<16xi32, #tpu.memory_space<hbm>>) dst(%dma_wait3A_217 : memref<16xi32, #tpu.memory_space<vmem>>)
        tpu.yield
      }) : () -> ()
      %dma_start3A_88 = arith.constant 2 : i32
      %dma_start3A_89 = arith.constant 0 : i32
      %dma_start3A_90 = tpu.memref_slice %arg6[%dma_start3A_88, %dma_start3A_89] : memref<4x16xi32, #tpu.memory_space<vmem>> -> memref<1x16xi32, #tpu.memory_space<vmem>>
      %dma_start3A_91 = tpu.memref_squeeze %dma_start3A_90 : memref<1x16xi32, #tpu.memory_space<vmem>> -> memref<16xi32, #tpu.memory_space<vmem>>
      %dma_start3A_92 = arith.constant 0 : i32
      %dma_start3A_93 = arith.constant 0 : i32
      %dma_start3A_94 = tpu.memref_slice %arg4[%dma_start3A_92, %dma_start3A_93] : memref<100000x1024xf32, #tpu.memory_space<hbm>> -> memref<100000x1024xf32, #tpu.memory_space<hbm>>
      tpu.enqueue_indirect_dma source(%dma_start3A_94 : memref<100000x1024xf32, #tpu.memory_space<hbm>>) target(%arg10 : memref<16x1024xf32, #tpu.memory_space<vmem>>) offsets(%dma_start3A_91 : memref<16xi32, #tpu.memory_space<vmem>>) semaphore(%arg14 : memref<!tpu.dma_semaphore, #tpu.memory_space<semaphore_mem>>)
      %dma_wait3A_95 = arith.constant 1 : i32
      %dma_wait3A_96 = arith.constant 0 : i32
      %dma_wait3A_97 = tpu.memref_slice %arg6[%dma_wait3A_95, %dma_wait3A_96] : memref<4x16xi32, #tpu.memory_space<vmem>> -> memref<1x16xi32, #tpu.memory_space<vmem>>
      %dma_wait3A_98 = tpu.memref_squeeze %dma_wait3A_97 : memref<1x16xi32, #tpu.memory_space<vmem>> -> memref<16xi32, #tpu.memory_space<vmem>>
      %dma_wait3A_99 = arith.constant 0 : i32
      %dma_wait3A_100 = arith.constant 0 : i32
      %dma_wait3A_101 = tpu.memref_slice %arg4[%dma_wait3A_99, %dma_wait3A_100] : memref<100000x1024xf32, #tpu.memory_space<hbm>> -> memref<100000x1024xf32, #tpu.memory_space<hbm>>
      tpu.wait_indirect_dma semaphore(%arg13 : memref<!tpu.dma_semaphore, #tpu.memory_space<semaphore_mem>>) src(%dma_wait3A_101 : memref<100000x1024xf32, #tpu.memory_space<hbm>>) dst(%arg9 : memref<16x1024xf32, #tpu.memory_space<vmem>>)
      %scan3A_102 = arith.constant 0 : i32
      %scan3A_103 = arith.constant 0 : i32
      %scan3A_104 = arith.constant 1024 : i32
      %scan3A_105 = arith.addi %scan3A_103, %scan3A_104 : i32
      %scan3A_106 = arith.constant 4 : i32
      scf.for %scan3A_199 = %scan3A_103 to %scan3A_105 step %scan3A_106  : i32 {
        %jit3A = arith.constant 64 : i32
        %div3A = arith.divsi %scan3A_199, %jit3A : i32
        %sign3A = arith.constant 0 : i32
        %sign3A_200 = arith.cmpi sgt, %scan3A_199, %sign3A : i32
        %sign3A_201 = arith.extui %sign3A_200 : i1 to i32
        %sign3A_202 = arith.constant 0 : i32
        %sign3A_203 = arith.cmpi slt, %scan3A_199, %sign3A_202 : i32
        %sign3A_204 = arith.extui %sign3A_203 : i1 to i32
        %sign3A_205 = arith.subi %sign3A_201, %sign3A_204 : i32
        %sign3A_206 = arith.constant 0 : i32
        %sign3A_207 = arith.cmpi sgt, %jit3A, %sign3A_206 : i32
        %sign3A_208 = arith.extui %sign3A_207 : i1 to i32
        %sign3A_209 = arith.constant 0 : i32
        %sign3A_210 = arith.cmpi slt, %jit3A, %sign3A_209 : i32
        %sign3A_211 = arith.extui %sign3A_210 : i1 to i32
        %sign3A_212 = arith.subi %sign3A_208, %sign3A_211 : i32
        %ne3A = arith.cmpi ne, %sign3A_205, %sign3A_212 : i32
        %rem3A = arith.remsi %scan3A_199, %jit3A : i32
        %ne3A_213 = arith.constant 0 : i32
        %ne3A_214 = arith.cmpi ne, %rem3A, %ne3A_213 : i32
        %and3A = arith.andi %ne3A, %ne3A_214 : i1
        %sub3A = arith.constant 1 : i32
        %sub3A_215 = arith.subi %div3A, %sub3A : i32
        %select_n3A = arith.select %and3A, %sub3A_215, %div3A : i32
        %jit3A_216 = arith.constant 64 : i32
        %eq3A = arith.constant 0 : i32
        %eq3A_217 = arith.cmpi eq, %jit3A_216, %eq3A : i32
        %jit3A_218 = arith.constant 1 : i32
        %select_n3A_219 = arith.select %eq3A_217, %jit3A_218, %jit3A_216 : i32
        %rem3A_220 = arith.remsi %scan3A_199, %select_n3A_219 : i32
        %ne3A_221 = arith.constant 0 : i32
        %ne3A_222 = arith.cmpi ne, %rem3A_220, %ne3A_221 : i32
        %lt3A_223 = arith.constant 0 : i32
        %lt3A_224 = arith.cmpi slt, %rem3A_220, %lt3A_223 : i32
        %lt3A_225 = arith.constant 0 : i32
        %lt3A_226 = arith.cmpi slt, %select_n3A_219, %lt3A_225 : i32
        %ne3A_227 = arith.xori %lt3A_224, %lt3A_226 : i1
        %and3A_228 = arith.andi %ne3A_227, %ne3A_222 : i1
        %add3A_229 = arith.addi %rem3A_220, %select_n3A_219 : i32
        %select_n3A_230 = arith.select %and3A_228, %add3A_229, %rem3A_220 : i32
        %mul3A_231 = arith.constant 16 : i32
        %mul3A_232 = arith.muli %select_n3A_230, %mul3A_231 : i32
        %get3A = arith.index_cast %select_n3A : i32 to index
        %get3A_233 = arith.index_cast %mul3A_232 : i32 to index
        %get3A_234 = tpu.vector_load %arg7[%get3A, %get3A_233] {strides = array<i32>} : memref<16x1024xf32, #tpu.memory_space<vmem>>, vector<1x16xf32>,
        %get3A_235 = vector.shape_cast %get3A_234 : vector<1x16xf32> to vector<16xf32>
        %swap3A = arith.index_cast %select_n3A : i32 to index
        %swap3A_236 = arith.index_cast %mul3A_232 : i32 to index
        %swap3A_237 = tpu.vector_load %arg9[%swap3A, %swap3A_236] {strides = array<i32>} : memref<16x1024xf32, #tpu.memory_space<vmem>>, vector<1x16xf32>,
        %swap3A_238 = vector.shape_cast %swap3A_237 : vector<1x16xf32> to vector<16xf32>
        %swap3A_239 = vector.shape_cast %get3A_235 : vector<16xf32> to vector<1x16xf32>
        tpu.vector_store %arg9[%swap3A, %swap3A_236], %swap3A_239 {add = true, strides = array<i32>} : memref<16x1024xf32, #tpu.memory_space<vmem>>, vector<1x16xf32>,
        %scan3A_240 = arith.constant 1 : i32
        %scan3A_241 = arith.addi %scan3A_199, %scan3A_240 : i32
        %jit3A_242 = arith.constant 64 : i32
        %div3A_243 = arith.divsi %scan3A_241, %jit3A_242 : i32
        %sign3A_244 = arith.constant 0 : i32
        %sign3A_245 = arith.cmpi sgt, %scan3A_241, %sign3A_244 : i32
        %sign3A_246 = arith.extui %sign3A_245 : i1 to i32
        %sign3A_247 = arith.constant 0 : i32
        %sign3A_248 = arith.cmpi slt, %scan3A_241, %sign3A_247 : i32
        %sign3A_249 = arith.extui %sign3A_248 : i1 to i32
        %sign3A_250 = arith.subi %sign3A_246, %sign3A_249 : i32
        %sign3A_251 = arith.constant 0 : i32
        %sign3A_252 = arith.cmpi sgt, %jit3A_242, %sign3A_251 : i32
        %sign3A_253 = arith.extui %sign3A_252 : i1 to i32
        %sign3A_254 = arith.constant 0 : i32
        %sign3A_255 = arith.cmpi slt, %jit3A_242, %sign3A_254 : i32
        %sign3A_256 = arith.extui %sign3A_255 : i1 to i32
        %sign3A_257 = arith.subi %sign3A_253, %sign3A_256 : i32
        %ne3A_258 = arith.cmpi ne, %sign3A_250, %sign3A_257 : i32
        %rem3A_259 = arith.remsi %scan3A_241, %jit3A_242 : i32
        %ne3A_260 = arith.constant 0 : i32
        %ne3A_261 = arith.cmpi ne, %rem3A_259, %ne3A_260 : i32
        %and3A_262 = arith.andi %ne3A_258, %ne3A_261 : i1
        %sub3A_263 = arith.constant 1 : i32
        %sub3A_264 = arith.subi %div3A_243, %sub3A_263 : i32
        %select_n3A_265 = arith.select %and3A_262, %sub3A_264, %div3A_243 : i32
        %jit3A_266 = arith.constant 64 : i32
        %eq3A_267 = arith.constant 0 : i32
        %eq3A_268 = arith.cmpi eq, %jit3A_266, %eq3A_267 : i32
        %jit3A_269 = arith.constant 1 : i32
        %select_n3A_270 = arith.select %eq3A_268, %jit3A_269, %jit3A_266 : i32
        %rem3A_271 = arith.remsi %scan3A_241, %select_n3A_270 : i32
        %ne3A_272 = arith.constant 0 : i32
        %ne3A_273 = arith.cmpi ne, %rem3A_271, %ne3A_272 : i32
        %lt3A_274 = arith.constant 0 : i32
        %lt3A_275 = arith.cmpi slt, %rem3A_271, %lt3A_274 : i32
        %lt3A_276 = arith.constant 0 : i32
        %lt3A_277 = arith.cmpi slt, %select_n3A_270, %lt3A_276 : i32
        %ne3A_278 = arith.xori %lt3A_275, %lt3A_277 : i1
        %and3A_279 = arith.andi %ne3A_278, %ne3A_273 : i1
        %add3A_280 = arith.addi %rem3A_271, %select_n3A_270 : i32
        %select_n3A_281 = arith.select %and3A_279, %add3A_280, %rem3A_271 : i32
        %mul3A_282 = arith.constant 16 : i32
        %mul3A_283 = arith.muli %select_n3A_281, %mul3A_282 : i32
        %get3A_284 = arith.index_cast %select_n3A_265 : i32 to index
        %get3A_285 = arith.index_cast %mul3A_283 : i32 to index
        %get3A_286 = tpu.vector_load %arg7[%get3A_284, %get3A_285] {strides = array<i32>} : memref<16x1024xf32, #tpu.memory_space<vmem>>, vector<1x16xf32>,
        %get3A_287 = vector.shape_cast %get3A_286 : vector<1x16xf32> to vector<16xf32>
        %swap3A_288 = arith.index_cast %select_n3A_265 : i32 to index
        %swap3A_289 = arith.index_cast %mul3A_283 : i32 to index
        %swap3A_290 = tpu.vector_load %arg9[%swap3A_288, %swap3A_289] {strides = array<i32>} : memref<16x1024xf32, #tpu.memory_space<vmem>>, vector<1x16xf32>,
        %swap3A_291 = vector.shape_cast %swap3A_290 : vector<1x16xf32> to vector<16xf32>
        %swap3A_292 = vector.shape_cast %get3A_287 : vector<16xf32> to vector<1x16xf32>
        tpu.vector_store %arg9[%swap3A_288, %swap3A_289], %swap3A_292 {add = true, strides = array<i32>} : memref<16x1024xf32, #tpu.memory_space<vmem>>, vector<1x16xf32>,
        %scan3A_293 = arith.constant 2 : i32
        %scan3A_294 = arith.addi %scan3A_199, %scan3A_293 : i32
        %jit3A_295 = arith.constant 64 : i32
        %div3A_296 = arith.divsi %scan3A_294, %jit3A_295 : i32
        %sign3A_297 = arith.constant 0 : i32
        %sign3A_298 = arith.cmpi sgt, %scan3A_294, %sign3A_297 : i32
        %sign3A_299 = arith.extui %sign3A_298 : i1 to i32
        %sign3A_300 = arith.constant 0 : i32
        %sign3A_301 = arith.cmpi slt, %scan3A_294, %sign3A_300 : i32
        %sign3A_302 = arith.extui %sign3A_301 : i1 to i32
        %sign3A_303 = arith.subi %sign3A_299, %sign3A_302 : i32
        %sign3A_304 = arith.constant 0 : i32
        %sign3A_305 = arith.cmpi sgt, %jit3A_295, %sign3A_304 : i32
        %sign3A_306 = arith.extui %sign3A_305 : i1 to i32
        %sign3A_307 = arith.constant 0 : i32
        %sign3A_308 = arith.cmpi slt, %jit3A_295, %sign3A_307 : i32
        %sign3A_309 = arith.extui %sign3A_308 : i1 to i32
        %sign3A_310 = arith.subi %sign3A_306, %sign3A_309 : i32
        %ne3A_311 = arith.cmpi ne, %sign3A_303, %sign3A_310 : i32
        %rem3A_312 = arith.remsi %scan3A_294, %jit3A_295 : i32
        %ne3A_313 = arith.constant 0 : i32
        %ne3A_314 = arith.cmpi ne, %rem3A_312, %ne3A_313 : i32
        %and3A_315 = arith.andi %ne3A_311, %ne3A_314 : i1
        %sub3A_316 = arith.constant 1 : i32
        %sub3A_317 = arith.subi %div3A_296, %sub3A_316 : i32
        %select_n3A_318 = arith.select %and3A_315, %sub3A_317, %div3A_296 : i32
        %jit3A_319 = arith.constant 64 : i32
        %eq3A_320 = arith.constant 0 : i32
        %eq3A_321 = arith.cmpi eq, %jit3A_319, %eq3A_320 : i32
        %jit3A_322 = arith.constant 1 : i32
        %select_n3A_323 = arith.select %eq3A_321, %jit3A_322, %jit3A_319 : i32
        %rem3A_324 = arith.remsi %scan3A_294, %select_n3A_323 : i32
        %ne3A_325 = arith.constant 0 : i32
        %ne3A_326 = arith.cmpi ne, %rem3A_324, %ne3A_325 : i32
        %lt3A_327 = arith.constant 0 : i32
        %lt3A_328 = arith.cmpi slt, %rem3A_324, %lt3A_327 : i32
        %lt3A_329 = arith.constant 0 : i32
        %lt3A_330 = arith.cmpi slt, %select_n3A_323, %lt3A_329 : i32
        %ne3A_331 = arith.xori %lt3A_328, %lt3A_330 : i1
        %and3A_332 = arith.andi %ne3A_331, %ne3A_326 : i1
        %add3A_333 = arith.addi %rem3A_324, %select_n3A_323 : i32
        %select_n3A_334 = arith.select %and3A_332, %add3A_333, %rem3A_324 : i32
        %mul3A_335 = arith.constant 16 : i32
        %mul3A_336 = arith.muli %select_n3A_334, %mul3A_335 : i32
        %get3A_337 = arith.index_cast %select_n3A_318 : i32 to index
        %get3A_338 = arith.index_cast %mul3A_336 : i32 to index
        %get3A_339 = tpu.vector_load %arg7[%get3A_337, %get3A_338] {strides = array<i32>} : memref<16x1024xf32, #tpu.memory_space<vmem>>, vector<1x16xf32>,
        %get3A_340 = vector.shape_cast %get3A_339 : vector<1x16xf32> to vector<16xf32>
        %swap3A_341 = arith.index_cast %select_n3A_318 : i32 to index
        %swap3A_342 = arith.index_cast %mul3A_336 : i32 to index
        %swap3A_343 = tpu.vector_load %arg9[%swap3A_341, %swap3A_342] {strides = array<i32>} : memref<16x1024xf32, #tpu.memory_space<vmem>>, vector<1x16xf32>,
        %swap3A_344 = vector.shape_cast %swap3A_343 : vector<1x16xf32> to vector<16xf32>
        %swap3A_345 = vector.shape_cast %get3A_340 : vector<16xf32> to vector<1x16xf32>
        tpu.vector_store %arg9[%swap3A_341, %swap3A_342], %swap3A_345 {add = true, strides = array<i32>} : memref<16x1024xf32, #tpu.memory_space<vmem>>, vector<1x16xf32>,
        %scan3A_346 = arith.constant 3 : i32
        %scan3A_347 = arith.addi %scan3A_199, %scan3A_346 : i32
        %jit3A_348 = arith.constant 64 : i32
        %div3A_349 = arith.divsi %scan3A_347, %jit3A_348 : i32
        %sign3A_350 = arith.constant 0 : i32
        %sign3A_351 = arith.cmpi sgt, %scan3A_347, %sign3A_350 : i32
        %sign3A_352 = arith.extui %sign3A_351 : i1 to i32
        %sign3A_353 = arith.constant 0 : i32
        %sign3A_354 = arith.cmpi slt, %scan3A_347, %sign3A_353 : i32
        %sign3A_355 = arith.extui %sign3A_354 : i1 to i32
        %sign3A_356 = arith.subi %sign3A_352, %sign3A_355 : i32
        %sign3A_357 = arith.constant 0 : i32
        %sign3A_358 = arith.cmpi sgt, %jit3A_348, %sign3A_357 : i32
        %sign3A_359 = arith.extui %sign3A_358 : i1 to i32
        %sign3A_360 = arith.constant 0 : i32
        %sign3A_361 = arith.cmpi slt, %jit3A_348, %sign3A_360 : i32
        %sign3A_362 = arith.extui %sign3A_361 : i1 to i32
        %sign3A_363 = arith.subi %sign3A_359, %sign3A_362 : i32
        %ne3A_364 = arith.cmpi ne, %sign3A_356, %sign3A_363 : i32
        %rem3A_365 = arith.remsi %scan3A_347, %jit3A_348 : i32
        %ne3A_366 = arith.constant 0 : i32
        %ne3A_367 = arith.cmpi ne, %rem3A_365, %ne3A_366 : i32
        %and3A_368 = arith.andi %ne3A_364, %ne3A_367 : i1
        %sub3A_369 = arith.constant 1 : i32
        %sub3A_370 = arith.subi %div3A_349, %sub3A_369 : i32
        %select_n3A_371 = arith.select %and3A_368, %sub3A_370, %div3A_349 : i32
        %jit3A_372 = arith.constant 64 : i32
        %eq3A_373 = arith.constant 0 : i32
        %eq3A_374 = arith.cmpi eq, %jit3A_372, %eq3A_373 : i32
        %jit3A_375 = arith.constant 1 : i32
        %select_n3A_376 = arith.select %eq3A_374, %jit3A_375, %jit3A_372 : i32
        %rem3A_377 = arith.remsi %scan3A_347, %select_n3A_376 : i32
        %ne3A_378 = arith.constant 0 : i32
        %ne3A_379 = arith.cmpi ne, %rem3A_377, %ne3A_378 : i32
        %lt3A_380 = arith.constant 0 : i32
        %lt3A_381 = arith.cmpi slt, %rem3A_377, %lt3A_380 : i32
        %lt3A_382 = arith.constant 0 : i32
        %lt3A_383 = arith.cmpi slt, %select_n3A_376, %lt3A_382 : i32
        %ne3A_384 = arith.xori %lt3A_381, %lt3A_383 : i1
        %and3A_385 = arith.andi %ne3A_384, %ne3A_379 : i1
        %add3A_386 = arith.addi %rem3A_377, %select_n3A_376 : i32
        %select_n3A_387 = arith.select %and3A_385, %add3A_386, %rem3A_377 : i32
        %mul3A_388 = arith.constant 16 : i32
        %mul3A_389 = arith.muli %select_n3A_387, %mul3A_388 : i32
        %get3A_390 = arith.index_cast %select_n3A_371 : i32 to index
        %get3A_391 = arith.index_cast %mul3A_389 : i32 to index
        %get3A_392 = tpu.vector_load %arg7[%get3A_390, %get3A_391] {strides = array<i32>} : memref<16x1024xf32, #tpu.memory_space<vmem>>, vector<1x16xf32>,
        %get3A_393 = vector.shape_cast %get3A_392 : vector<1x16xf32> to vector<16xf32>
        %swap3A_394 = arith.index_cast %select_n3A_371 : i32 to index
        %swap3A_395 = arith.index_cast %mul3A_389 : i32 to index
        %swap3A_396 = tpu.vector_load %arg9[%swap3A_394, %swap3A_395] {strides = array<i32>} : memref<16x1024xf32, #tpu.memory_space<vmem>>, vector<1x16xf32>,
        %swap3A_397 = vector.shape_cast %swap3A_396 : vector<1x16xf32> to vector<16xf32>
        %swap3A_398 = vector.shape_cast %get3A_393 : vector<16xf32> to vector<1x16xf32>
        tpu.vector_store %arg9[%swap3A_394, %swap3A_395], %swap3A_398 {add = true, strides = array<i32>} : memref<16x1024xf32, #tpu.memory_space<vmem>>, vector<1x16xf32>,
      }
      %scan3A_107 = arith.constant 1024 : i32
      %mul3A_108 = arith.constant 16 : i32
      %mul3A_109 = arith.muli %scan3A_54, %mul3A_108 : i32
      %add3A_110 = arith.addi %mul3A_2, %mul3A_109 : i32
      %dma_start3A_111 = arith.constant 1 : i32
      %dma_start3A_112 = arith.constant 0 : i32
      %dma_start3A_113 = tpu.memref_slice %arg5[%dma_start3A_111, %add3A_110, %dma_start3A_112] : memref<4x4096x1024xf32, #tpu.memory_space<hbm>> -> memref<1x16x1024xf32, #tpu.memory_space<hbm>>
      %dma_start3A_114 = tpu.memref_squeeze %dma_start3A_113 : memref<1x16x1024xf32, #tpu.memory_space<hbm>> -> memref<16x1024xf32, #tpu.memory_space<hbm>>
      %dma_start3A_115 = arith.constant 0 : i32
      %dma_start3A_116 = tpu.memref_slice %arg5[%dma_start3A_111, %add3A_110, %dma_start3A_115] : memref<4x4096x1024xf32, #tpu.memory_space<hbm>> -> memref<1x16x1024xf32, #tpu.memory_space<hbm>>
      %dma_start3A_117 = tpu.memref_squeeze %dma_start3A_116 : memref<1x16x1024xf32, #tpu.memory_space<hbm>> -> memref<16x1024xf32, #tpu.memory_space<hbm>>
      tpu.enqueue_dma source(%arg9 : memref<16x1024xf32, #tpu.memory_space<vmem>>) target(%dma_start3A_117 : memref<16x1024xf32, #tpu.memory_space<hbm>>) target_semaphore(%arg17 : memref<!tpu.dma_semaphore, #tpu.memory_space<semaphore_mem>>)
      %mul3A_118 = arith.constant 16 : i32
      %mul3A_119 = arith.muli %scan3A_54, %mul3A_118 : i32
      %add3A_120 = arith.addi %mul3A_2, %mul3A_119 : i32
      %dma_wait3A_121 = arith.constant 0 : i32
      %dma_wait3A_122 = arith.constant 0 : i32
      %dma_wait3A_123 = tpu.memref_slice %arg5[%dma_wait3A_121, %add3A_120, %dma_wait3A_122] : memref<4x4096x1024xf32, #tpu.memory_space<hbm>> -> memref<1x16x1024xf32, #tpu.memory_space<hbm>>
      %dma_wait3A_124 = tpu.memref_squeeze %dma_wait3A_123 : memref<1x16x1024xf32, #tpu.memory_space<hbm>> -> memref<16x1024xf32, #tpu.memory_space<hbm>>
      %dma_wait3A_125 = arith.constant 0 : i32
      %dma_wait3A_126 = tpu.memref_slice %arg5[%dma_wait3A_121, %add3A_120, %dma_wait3A_125] : memref<4x4096x1024xf32, #tpu.memory_space<hbm>> -> memref<1x16x1024xf32, #tpu.memory_space<hbm>>
      %dma_wait3A_127 = tpu.memref_squeeze %dma_wait3A_126 : memref<1x16x1024xf32, #tpu.memory_space<hbm>> -> memref<16x1024xf32, #tpu.memory_space<hbm>>
      tpu.wait_dma2 semaphore(%arg16 : memref<!tpu.dma_semaphore, #tpu.memory_space<semaphore_mem>>) src(%arg8 : memref<16x1024xf32, #tpu.memory_space<vmem>>) dst(%dma_wait3A_127 : memref<16x1024xf32, #tpu.memory_space<hbm>>)
      %mul3A_128 = arith.constant 16 : i32
      %mul3A_129 = arith.muli %scan3A_54, %mul3A_128 : i32
      %add3A_130 = arith.addi %mul3A_2, %mul3A_129 : i32
      %run_scoped3A_131 = arith.constant 3 : i32
      %run_scoped3A_132 = arith.constant 3 : i32
      "tpu.region"() ({
        %run_scoped3A_199 = tpu.sem_alloc : memref<!tpu.dma_semaphore, #tpu.memory_space<semaphore_mem>>
        %dma_start3A_200 = arith.constant 0 : i32
        %dma_start3A_201 = tpu.memref_slice %arg6[%run_scoped3A_132, %dma_start3A_200] : memref<4x16xi32, #tpu.memory_space<vmem>> -> memref<1x16xi32, #tpu.memory_space<vmem>>
        %dma_start3A_202 = tpu.memref_squeeze %dma_start3A_201 : memref<1x16xi32, #tpu.memory_space<vmem>> -> memref<16xi32, #tpu.memory_space<vmem>>
        %dma_start3A_203 = tpu.memref_slice %arg2[%run_scoped3A_131, %add3A_130] : memref<4x4096xi32, #tpu.memory_space<hbm>> -> memref<1x16xi32, #tpu.memory_space<hbm>>
        %dma_start3A_204 = tpu.memref_squeeze %dma_start3A_203 : memref<1x16xi32, #tpu.memory_space<hbm>> -> memref<16xi32, #tpu.memory_space<hbm>>
        %dma_start3A_205 = arith.constant 0 : i32
        %dma_start3A_206 = tpu.memref_slice %arg6[%run_scoped3A_132, %dma_start3A_205] : memref<4x16xi32, #tpu.memory_space<vmem>> -> memref<1x16xi32, #tpu.memory_space<vmem>>
        %dma_start3A_207 = tpu.memref_squeeze %dma_start3A_206 : memref<1x16xi32, #tpu.memory_space<vmem>> -> memref<16xi32, #tpu.memory_space<vmem>>
        %dma_start3A_208 = tpu.memref_slice %arg2[%run_scoped3A_131, %add3A_130] : memref<4x4096xi32, #tpu.memory_space<hbm>> -> memref<1x16xi32, #tpu.memory_space<hbm>>
        %dma_start3A_209 = tpu.memref_squeeze %dma_start3A_208 : memref<1x16xi32, #tpu.memory_space<hbm>> -> memref<16xi32, #tpu.memory_space<hbm>>
        tpu.enqueue_dma source(%dma_start3A_209 : memref<16xi32, #tpu.memory_space<hbm>>) target(%dma_start3A_207 : memref<16xi32, #tpu.memory_space<vmem>>) target_semaphore(%run_scoped3A_199 : memref<!tpu.dma_semaphore, #tpu.memory_space<semaphore_mem>>)
        %dma_wait3A_210 = arith.constant 0 : i32
        %dma_wait3A_211 = tpu.memref_slice %arg6[%run_scoped3A_132, %dma_wait3A_210] : memref<4x16xi32, #tpu.memory_space<vmem>> -> memref<1x16xi32, #tpu.memory_space<vmem>>
        %dma_wait3A_212 = tpu.memref_squeeze %dma_wait3A_211 : memref<1x16xi32, #tpu.memory_space<vmem>> -> memref<16xi32, #tpu.memory_space<vmem>>
        %dma_wait3A_213 = tpu.memref_slice %arg2[%run_scoped3A_131, %add3A_130] : memref<4x4096xi32, #tpu.memory_space<hbm>> -> memref<1x16xi32, #tpu.memory_space<hbm>>
        %dma_wait3A_214 = tpu.memref_squeeze %dma_wait3A_213 : memref<1x16xi32, #tpu.memory_space<hbm>> -> memref<16xi32, #tpu.memory_space<hbm>>
        %dma_wait3A_215 = arith.constant 0 : i32
        %dma_wait3A_216 = tpu.memref_slice %arg6[%run_scoped3A_132, %dma_wait3A_215] : memref<4x16xi32, #tpu.memory_space<vmem>> -> memref<1x16xi32, #tpu.memory_space<vmem>>
        %dma_wait3A_217 = tpu.memref_squeeze %dma_wait3A_216 : memref<1x16xi32, #tpu.memory_space<vmem>> -> memref<16xi32, #tpu.memory_space<vmem>>
        %dma_wait3A_218 = tpu.memref_slice %arg2[%run_scoped3A_131, %add3A_130] : memref<4x4096xi32, #tpu.memory_space<hbm>> -> memref<1x16xi32, #tpu.memory_space<hbm>>
        %dma_wait3A_219 = tpu.memref_squeeze %dma_wait3A_218 : memref<1x16xi32, #tpu.memory_space<hbm>> -> memref<16xi32, #tpu.memory_space<hbm>>
        tpu.wait_dma2 semaphore(%run_scoped3A_199 : memref<!tpu.dma_semaphore, #tpu.memory_space<semaphore_mem>>) src(%dma_wait3A_219 : memref<16xi32, #tpu.memory_space<hbm>>) dst(%dma_wait3A_217 : memref<16xi32, #tpu.memory_space<vmem>>)
        tpu.yield
      }) : () -> ()
      %dma_start3A_133 = arith.constant 3 : i32
      %dma_start3A_134 = arith.constant 0 : i32
      %dma_start3A_135 = tpu.memref_slice %arg6[%dma_start3A_133, %dma_start3A_134] : memref<4x16xi32, #tpu.memory_space<vmem>> -> memref<1x16xi32, #tpu.memory_space<vmem>>
      %dma_start3A_136 = tpu.memref_squeeze %dma_start3A_135 : memref<1x16xi32, #tpu.memory_space<vmem>> -> memref<16xi32, #tpu.memory_space<vmem>>
      %dma_start3A_137 = arith.constant 0 : i32
      %dma_start3A_138 = arith.constant 0 : i32
      %dma_start3A_139 = tpu.memref_slice %arg4[%dma_start3A_137, %dma_start3A_138] : memref<100000x1024xf32, #tpu.memory_space<hbm>> -> memref<100000x1024xf32, #tpu.memory_space<hbm>>
      tpu.enqueue_indirect_dma source(%dma_start3A_139 : memref<100000x1024xf32, #tpu.memory_space<hbm>>) target(%arg11 : memref<16x1024xf32, #tpu.memory_space<vmem>>) offsets(%dma_start3A_136 : memref<16xi32, #tpu.memory_space<vmem>>) semaphore(%arg15 : memref<!tpu.dma_semaphore, #tpu.memory_space<semaphore_mem>>)
      %dma_wait3A_140 = arith.constant 2 : i32
      %dma_wait3A_141 = arith.constant 0 : i32
      %dma_wait3A_142 = tpu.memref_slice %arg6[%dma_wait3A_140, %dma_wait3A_141] : memref<4x16xi32, #tpu.memory_space<vmem>> -> memref<1x16xi32, #tpu.memory_space<vmem>>
      %dma_wait3A_143 = tpu.memref_squeeze %dma_wait3A_142 : memref<1x16xi32, #tpu.memory_space<vmem>> -> memref<16xi32, #tpu.memory_space<vmem>>
      %dma_wait3A_144 = arith.constant 0 : i32
      %dma_wait3A_145 = arith.constant 0 : i32
      %dma_wait3A_146 = tpu.memref_slice %arg4[%dma_wait3A_144, %dma_wait3A_145] : memref<100000x1024xf32, #tpu.memory_space<hbm>> -> memref<100000x1024xf32, #tpu.memory_space<hbm>>
      tpu.wait_indirect_dma semaphore(%arg14 : memref<!tpu.dma_semaphore, #tpu.memory_space<semaphore_mem>>) src(%dma_wait3A_146 : memref<100000x1024xf32, #tpu.memory_space<hbm>>) dst(%arg10 : memref<16x1024xf32, #tpu.memory_space<vmem>>)
      %scan3A_147 = arith.constant 0 : i32
      %scan3A_148 = arith.constant 0 : i32
      %scan3A_149 = arith.constant 1024 : i32
      %scan3A_150 = arith.addi %scan3A_148, %scan3A_149 : i32
      %scan3A_151 = arith.constant 4 : i32
      scf.for %scan3A_199 = %scan3A_148 to %scan3A_150 step %scan3A_151  : i32 {
        %jit3A = arith.constant 64 : i32
        %div3A = arith.divsi %scan3A_199, %jit3A : i32
        %sign3A = arith.constant 0 : i32
        %sign3A_200 = arith.cmpi sgt, %scan3A_199, %sign3A : i32
        %sign3A_201 = arith.extui %sign3A_200 : i1 to i32
        %sign3A_202 = arith.constant 0 : i32
        %sign3A_203 = arith.cmpi slt, %scan3A_199, %sign3A_202 : i32
        %sign3A_204 = arith.extui %sign3A_203 : i1 to i32
        %sign3A_205 = arith.subi %sign3A_201, %sign3A_204 : i32
        %sign3A_206 = arith.constant 0 : i32
        %sign3A_207 = arith.cmpi sgt, %jit3A, %sign3A_206 : i32
        %sign3A_208 = arith.extui %sign3A_207 : i1 to i32
        %sign3A_209 = arith.constant 0 : i32
        %sign3A_210 = arith.cmpi slt, %jit3A, %sign3A_209 : i32
        %sign3A_211 = arith.extui %sign3A_210 : i1 to i32
        %sign3A_212 = arith.subi %sign3A_208, %sign3A_211 : i32
        %ne3A = arith.cmpi ne, %sign3A_205, %sign3A_212 : i32
        %rem3A = arith.remsi %scan3A_199, %jit3A : i32
        %ne3A_213 = arith.constant 0 : i32
        %ne3A_214 = arith.cmpi ne, %rem3A, %ne3A_213 : i32
        %and3A = arith.andi %ne3A, %ne3A_214 : i1
        %sub3A = arith.constant 1 : i32
        %sub3A_215 = arith.subi %div3A, %sub3A : i32
        %select_n3A = arith.select %and3A, %sub3A_215, %div3A : i32
        %jit3A_216 = arith.constant 64 : i32
        %eq3A = arith.constant 0 : i32
        %eq3A_217 = arith.cmpi eq, %jit3A_216, %eq3A : i32
        %jit3A_218 = arith.constant 1 : i32
        %select_n3A_219 = arith.select %eq3A_217, %jit3A_218, %jit3A_216 : i32
        %rem3A_220 = arith.remsi %scan3A_199, %select_n3A_219 : i32
        %ne3A_221 = arith.constant 0 : i32
        %ne3A_222 = arith.cmpi ne, %rem3A_220, %ne3A_221 : i32
        %lt3A_223 = arith.constant 0 : i32
        %lt3A_224 = arith.cmpi slt, %rem3A_220, %lt3A_223 : i32
        %lt3A_225 = arith.constant 0 : i32
        %lt3A_226 = arith.cmpi slt, %select_n3A_219, %lt3A_225 : i32
        %ne3A_227 = arith.xori %lt3A_224, %lt3A_226 : i1
        %and3A_228 = arith.andi %ne3A_227, %ne3A_222 : i1
        %add3A_229 = arith.addi %rem3A_220, %select_n3A_219 : i32
        %select_n3A_230 = arith.select %and3A_228, %add3A_229, %rem3A_220 : i32
        %mul3A_231 = arith.constant 16 : i32
        %mul3A_232 = arith.muli %select_n3A_230, %mul3A_231 : i32
        %get3A = arith.index_cast %select_n3A : i32 to index
        %get3A_233 = arith.index_cast %mul3A_232 : i32 to index
        %get3A_234 = tpu.vector_load %arg7[%get3A, %get3A_233] {strides = array<i32>} : memref<16x1024xf32, #tpu.memory_space<vmem>>, vector<1x16xf32>,
        %get3A_235 = vector.shape_cast %get3A_234 : vector<1x16xf32> to vector<16xf32>
        %swap3A = arith.index_cast %select_n3A : i32 to index
        %swap3A_236 = arith.index_cast %mul3A_232 : i32 to index
        %swap3A_237 = tpu.vector_load %arg10[%swap3A, %swap3A_236] {strides = array<i32>} : memref<16x1024xf32, #tpu.memory_space<vmem>>, vector<1x16xf32>,
        %swap3A_238 = vector.shape_cast %swap3A_237 : vector<1x16xf32> to vector<16xf32>
        %swap3A_239 = vector.shape_cast %get3A_235 : vector<16xf32> to vector<1x16xf32>
        tpu.vector_store %arg10[%swap3A, %swap3A_236], %swap3A_239 {add = true, strides = array<i32>} : memref<16x1024xf32, #tpu.memory_space<vmem>>, vector<1x16xf32>,
        %scan3A_240 = arith.constant 1 : i32
        %scan3A_241 = arith.addi %scan3A_199, %scan3A_240 : i32
        %jit3A_242 = arith.constant 64 : i32
        %div3A_243 = arith.divsi %scan3A_241, %jit3A_242 : i32
        %sign3A_244 = arith.constant 0 : i32
        %sign3A_245 = arith.cmpi sgt, %scan3A_241, %sign3A_244 : i32
        %sign3A_246 = arith.extui %sign3A_245 : i1 to i32
        %sign3A_247 = arith.constant 0 : i32
        %sign3A_248 = arith.cmpi slt, %scan3A_241, %sign3A_247 : i32
        %sign3A_249 = arith.extui %sign3A_248 : i1 to i32
        %sign3A_250 = arith.subi %sign3A_246, %sign3A_249 : i32
        %sign3A_251 = arith.constant 0 : i32
        %sign3A_252 = arith.cmpi sgt, %jit3A_242, %sign3A_251 : i32
        %sign3A_253 = arith.extui %sign3A_252 : i1 to i32
        %sign3A_254 = arith.constant 0 : i32
        %sign3A_255 = arith.cmpi slt, %jit3A_242, %sign3A_254 : i32
        %sign3A_256 = arith.extui %sign3A_255 : i1 to i32
        %sign3A_257 = arith.subi %sign3A_253, %sign3A_256 : i32
        %ne3A_258 = arith.cmpi ne, %sign3A_250, %sign3A_257 : i32
        %rem3A_259 = arith.remsi %scan3A_241, %jit3A_242 : i32
        %ne3A_260 = arith.constant 0 : i32
        %ne3A_261 = arith.cmpi ne, %rem3A_259, %ne3A_260 : i32
        %and3A_262 = arith.andi %ne3A_258, %ne3A_261 : i1
        %sub3A_263 = arith.constant 1 : i32
        %sub3A_264 = arith.subi %div3A_243, %sub3A_263 : i32
        %select_n3A_265 = arith.select %and3A_262, %sub3A_264, %div3A_243 : i32
        %jit3A_266 = arith.constant 64 : i32
        %eq3A_267 = arith.constant 0 : i32
        %eq3A_268 = arith.cmpi eq, %jit3A_266, %eq3A_267 : i32
        %jit3A_269 = arith.constant 1 : i32
        %select_n3A_270 = arith.select %eq3A_268, %jit3A_269, %jit3A_266 : i32
        %rem3A_271 = arith.remsi %scan3A_241, %select_n3A_270 : i32
        %ne3A_272 = arith.constant 0 : i32
        %ne3A_273 = arith.cmpi ne, %rem3A_271, %ne3A_272 : i32
        %lt3A_274 = arith.constant 0 : i32
        %lt3A_275 = arith.cmpi slt, %rem3A_271, %lt3A_274 : i32
        %lt3A_276 = arith.constant 0 : i32
        %lt3A_277 = arith.cmpi slt, %select_n3A_270, %lt3A_276 : i32
        %ne3A_278 = arith.xori %lt3A_275, %lt3A_277 : i1
        %and3A_279 = arith.andi %ne3A_278, %ne3A_273 : i1
        %add3A_280 = arith.addi %rem3A_271, %select_n3A_270 : i32
        %select_n3A_281 = arith.select %and3A_279, %add3A_280, %rem3A_271 : i32
        %mul3A_282 = arith.constant 16 : i32
        %mul3A_283 = arith.muli %select_n3A_281, %mul3A_282 : i32
        %get3A_284 = arith.index_cast %select_n3A_265 : i32 to index
        %get3A_285 = arith.index_cast %mul3A_283 : i32 to index
        %get3A_286 = tpu.vector_load %arg7[%get3A_284, %get3A_285] {strides = array<i32>} : memref<16x1024xf32, #tpu.memory_space<vmem>>, vector<1x16xf32>,
        %get3A_287 = vector.shape_cast %get3A_286 : vector<1x16xf32> to vector<16xf32>
        %swap3A_288 = arith.index_cast %select_n3A_265 : i32 to index
        %swap3A_289 = arith.index_cast %mul3A_283 : i32 to index
        %swap3A_290 = tpu.vector_load %arg10[%swap3A_288, %swap3A_289] {strides = array<i32>} : memref<16x1024xf32, #tpu.memory_space<vmem>>, vector<1x16xf32>,
        %swap3A_291 = vector.shape_cast %swap3A_290 : vector<1x16xf32> to vector<16xf32>
        %swap3A_292 = vector.shape_cast %get3A_287 : vector<16xf32> to vector<1x16xf32>
        tpu.vector_store %arg10[%swap3A_288, %swap3A_289], %swap3A_292 {add = true, strides = array<i32>} : memref<16x1024xf32, #tpu.memory_space<vmem>>, vector<1x16xf32>,
        %scan3A_293 = arith.constant 2 : i32
        %scan3A_294 = arith.addi %scan3A_199, %scan3A_293 : i32
        %jit3A_295 = arith.constant 64 : i32
        %div3A_296 = arith.divsi %scan3A_294, %jit3A_295 : i32
        %sign3A_297 = arith.constant 0 : i32
        %sign3A_298 = arith.cmpi sgt, %scan3A_294, %sign3A_297 : i32
        %sign3A_299 = arith.extui %sign3A_298 : i1 to i32
        %sign3A_300 = arith.constant 0 : i32
        %sign3A_301 = arith.cmpi slt, %scan3A_294, %sign3A_300 : i32
        %sign3A_302 = arith.extui %sign3A_301 : i1 to i32
        %sign3A_303 = arith.subi %sign3A_299, %sign3A_302 : i32
        %sign3A_304 = arith.constant 0 : i32
        %sign3A_305 = arith.cmpi sgt, %jit3A_295, %sign3A_304 : i32
        %sign3A_306 = arith.extui %sign3A_305 : i1 to i32
        %sign3A_307 = arith.constant 0 : i32
        %sign3A_308 = arith.cmpi slt, %jit3A_295, %sign3A_307 : i32
        %sign3A_309 = arith.extui %sign3A_308 : i1 to i32
        %sign3A_310 = arith.subi %sign3A_306, %sign3A_309 : i32
        %ne3A_311 = arith.cmpi ne, %sign3A_303, %sign3A_310 : i32
        %rem3A_312 = arith.remsi %scan3A_294, %jit3A_295 : i32
        %ne3A_313 = arith.constant 0 : i32
        %ne3A_314 = arith.cmpi ne, %rem3A_312, %ne3A_313 : i32
        %and3A_315 = arith.andi %ne3A_311, %ne3A_314 : i1
        %sub3A_316 = arith.constant 1 : i32
        %sub3A_317 = arith.subi %div3A_296, %sub3A_316 : i32
        %select_n3A_318 = arith.select %and3A_315, %sub3A_317, %div3A_296 : i32
        %jit3A_319 = arith.constant 64 : i32
        %eq3A_320 = arith.constant 0 : i32
        %eq3A_321 = arith.cmpi eq, %jit3A_319, %eq3A_320 : i32
        %jit3A_322 = arith.constant 1 : i32
        %select_n3A_323 = arith.select %eq3A_321, %jit3A_322, %jit3A_319 : i32
        %rem3A_324 = arith.remsi %scan3A_294, %select_n3A_323 : i32
        %ne3A_325 = arith.constant 0 : i32
        %ne3A_326 = arith.cmpi ne, %rem3A_324, %ne3A_325 : i32
        %lt3A_327 = arith.constant 0 : i32
        %lt3A_328 = arith.cmpi slt, %rem3A_324, %lt3A_327 : i32
        %lt3A_329 = arith.constant 0 : i32
        %lt3A_330 = arith.cmpi slt, %select_n3A_323, %lt3A_329 : i32
        %ne3A_331 = arith.xori %lt3A_328, %lt3A_330 : i1
        %and3A_332 = arith.andi %ne3A_331, %ne3A_326 : i1
        %add3A_333 = arith.addi %rem3A_324, %select_n3A_323 : i32
        %select_n3A_334 = arith.select %and3A_332, %add3A_333, %rem3A_324 : i32
        %mul3A_335 = arith.constant 16 : i32
        %mul3A_336 = arith.muli %select_n3A_334, %mul3A_335 : i32
        %get3A_337 = arith.index_cast %select_n3A_318 : i32 to index
        %get3A_338 = arith.index_cast %mul3A_336 : i32 to index
        %get3A_339 = tpu.vector_load %arg7[%get3A_337, %get3A_338] {strides = array<i32>} : memref<16x1024xf32, #tpu.memory_space<vmem>>, vector<1x16xf32>,
        %get3A_340 = vector.shape_cast %get3A_339 : vector<1x16xf32> to vector<16xf32>
        %swap3A_341 = arith.index_cast %select_n3A_318 : i32 to index
        %swap3A_342 = arith.index_cast %mul3A_336 : i32 to index
        %swap3A_343 = tpu.vector_load %arg10[%swap3A_341, %swap3A_342] {strides = array<i32>} : memref<16x1024xf32, #tpu.memory_space<vmem>>, vector<1x16xf32>,
        %swap3A_344 = vector.shape_cast %swap3A_343 : vector<1x16xf32> to vector<16xf32>
        %swap3A_345 = vector.shape_cast %get3A_340 : vector<16xf32> to vector<1x16xf32>
        tpu.vector_store %arg10[%swap3A_341, %swap3A_342], %swap3A_345 {add = true, strides = array<i32>} : memref<16x1024xf32, #tpu.memory_space<vmem>>, vector<1x16xf32>,
        %scan3A_346 = arith.constant 3 : i32
        %scan3A_347 = arith.addi %scan3A_199, %scan3A_346 : i32
        %jit3A_348 = arith.constant 64 : i32
        %div3A_349 = arith.divsi %scan3A_347, %jit3A_348 : i32
        %sign3A_350 = arith.constant 0 : i32
        %sign3A_351 = arith.cmpi sgt, %scan3A_347, %sign3A_350 : i32
        %sign3A_352 = arith.extui %sign3A_351 : i1 to i32
        %sign3A_353 = arith.constant 0 : i32
        %sign3A_354 = arith.cmpi slt, %scan3A_347, %sign3A_353 : i32
        %sign3A_355 = arith.extui %sign3A_354 : i1 to i32
        %sign3A_356 = arith.subi %sign3A_352, %sign3A_355 : i32
        %sign3A_357 = arith.constant 0 : i32
        %sign3A_358 = arith.cmpi sgt, %jit3A_348, %sign3A_357 : i32
        %sign3A_359 = arith.extui %sign3A_358 : i1 to i32
        %sign3A_360 = arith.constant 0 : i32
        %sign3A_361 = arith.cmpi slt, %jit3A_348, %sign3A_360 : i32
        %sign3A_362 = arith.extui %sign3A_361 : i1 to i32
        %sign3A_363 = arith.subi %sign3A_359, %sign3A_362 : i32
        %ne3A_364 = arith.cmpi ne, %sign3A_356, %sign3A_363 : i32
        %rem3A_365 = arith.remsi %scan3A_347, %jit3A_348 : i32
        %ne3A_366 = arith.constant 0 : i32
        %ne3A_367 = arith.cmpi ne, %rem3A_365, %ne3A_366 : i32
        %and3A_368 = arith.andi %ne3A_364, %ne3A_367 : i1
        %sub3A_369 = arith.constant 1 : i32
        %sub3A_370 = arith.subi %div3A_349, %sub3A_369 : i32
        %select_n3A_371 = arith.select %and3A_368, %sub3A_370, %div3A_349 : i32
        %jit3A_372 = arith.constant 64 : i32
        %eq3A_373 = arith.constant 0 : i32
        %eq3A_374 = arith.cmpi eq, %jit3A_372, %eq3A_373 : i32
        %jit3A_375 = arith.constant 1 : i32
        %select_n3A_376 = arith.select %eq3A_374, %jit3A_375, %jit3A_372 : i32
        %rem3A_377 = arith.remsi %scan3A_347, %select_n3A_376 : i32
        %ne3A_378 = arith.constant 0 : i32
        %ne3A_379 = arith.cmpi ne, %rem3A_377, %ne3A_378 : i32
        %lt3A_380 = arith.constant 0 : i32
        %lt3A_381 = arith.cmpi slt, %rem3A_377, %lt3A_380 : i32
        %lt3A_382 = arith.constant 0 : i32
        %lt3A_383 = arith.cmpi slt, %select_n3A_376, %lt3A_382 : i32
        %ne3A_384 = arith.xori %lt3A_381, %lt3A_383 : i1
        %and3A_385 = arith.andi %ne3A_384, %ne3A_379 : i1
        %add3A_386 = arith.addi %rem3A_377, %select_n3A_376 : i32
        %select_n3A_387 = arith.select %and3A_385, %add3A_386, %rem3A_377 : i32
        %mul3A_388 = arith.constant 16 : i32
        %mul3A_389 = arith.muli %select_n3A_387, %mul3A_388 : i32
        %get3A_390 = arith.index_cast %select_n3A_371 : i32 to index
        %get3A_391 = arith.index_cast %mul3A_389 : i32 to index
        %get3A_392 = tpu.vector_load %arg7[%get3A_390, %get3A_391] {strides = array<i32>} : memref<16x1024xf32, #tpu.memory_space<vmem>>, vector<1x16xf32>,
        %get3A_393 = vector.shape_cast %get3A_392 : vector<1x16xf32> to vector<16xf32>
        %swap3A_394 = arith.index_cast %select_n3A_371 : i32 to index
        %swap3A_395 = arith.index_cast %mul3A_389 : i32 to index
        %swap3A_396 = tpu.vector_load %arg10[%swap3A_394, %swap3A_395] {strides = array<i32>} : memref<16x1024xf32, #tpu.memory_space<vmem>>, vector<1x16xf32>,
        %swap3A_397 = vector.shape_cast %swap3A_396 : vector<1x16xf32> to vector<16xf32>
        %swap3A_398 = vector.shape_cast %get3A_393 : vector<16xf32> to vector<1x16xf32>
        tpu.vector_store %arg10[%swap3A_394, %swap3A_395], %swap3A_398 {add = true, strides = array<i32>} : memref<16x1024xf32, #tpu.memory_space<vmem>>, vector<1x16xf32>,
      }
      %scan3A_152 = arith.constant 1024 : i32
      %mul3A_153 = arith.constant 16 : i32
      %mul3A_154 = arith.muli %scan3A_54, %mul3A_153 : i32
      %add3A_155 = arith.addi %mul3A_2, %mul3A_154 : i32
      %dma_start3A_156 = arith.constant 2 : i32
      %dma_start3A_157 = arith.constant 0 : i32
      %dma_start3A_158 = tpu.memref_slice %arg5[%dma_start3A_156, %add3A_155, %dma_start3A_157] : memref<4x4096x1024xf32, #tpu.memory_space<hbm>> -> memref<1x16x1024xf32, #tpu.memory_space<hbm>>
      %dma_start3A_159 = tpu.memref_squeeze %dma_start3A_158 : memref<1x16x1024xf32, #tpu.memory_space<hbm>> -> memref<16x1024xf32, #tpu.memory_space<hbm>>
      %dma_start3A_160 = arith.constant 0 : i32
      %dma_start3A_161 = tpu.memref_slice %arg5[%dma_start3A_156, %add3A_155, %dma_start3A_160] : memref<4x4096x1024xf32, #tpu.memory_space<hbm>> -> memref<1x16x1024xf32, #tpu.memory_space<hbm>>
      %dma_start3A_162 = tpu.memref_squeeze %dma_start3A_161 : memref<1x16x1024xf32, #tpu.memory_space<hbm>> -> memref<16x1024xf32, #tpu.memory_space<hbm>>
      tpu.enqueue_dma source(%arg10 : memref<16x1024xf32, #tpu.memory_space<vmem>>) target(%dma_start3A_162 : memref<16x1024xf32, #tpu.memory_space<hbm>>) target_semaphore(%arg18 : memref<!tpu.dma_semaphore, #tpu.memory_space<semaphore_mem>>)
      %add3A_163 = arith.constant 1 : i32
      %add3A_164 = arith.addi %scan3A_54, %add3A_163 : i32
      %lt3A = arith.constant 8 : i32
      %lt3A_165 = arith.cmpi slt, %add3A_164, %lt3A : i32
      %convert_element_type3A_166 = arith.extui %lt3A_165 : i1 to i32
      %cond3A_167 = arith.constant 0 : i32
      %cond3A_168 = arith.cmpi ne, %convert_element_type3A_166, %cond3A_167 : i32
      scf.if %cond3A_168 {
        %mul3A_199 = arith.constant 16 : i32
        %mul3A_200 = arith.muli %scan3A_54, %mul3A_199 : i32
        %add3A_201 = arith.addi %mul3A_2, %mul3A_200 : i32
        %dma_wait3A_202 = arith.constant 1 : i32
        %dma_wait3A_203 = arith.constant 0 : i32
        %dma_wait3A_204 = tpu.memref_slice %arg5[%dma_wait3A_202, %add3A_201, %dma_wait3A_203] : memref<4x4096x1024xf32, #tpu.memory_space<hbm>> -> memref<1x16x1024xf32, #tpu.memory_space<hbm>>
        %dma_wait3A_205 = tpu.memref_squeeze %dma_wait3A_204 : memref<1x16x1024xf32, #tpu.memory_space<hbm>> -> memref<16x1024xf32, #tpu.memory_space<hbm>>
        %dma_wait3A_206 = arith.constant 0 : i32
        %dma_wait3A_207 = tpu.memref_slice %arg5[%dma_wait3A_202, %add3A_201, %dma_wait3A_206] : memref<4x4096x1024xf32, #tpu.memory_space<hbm>> -> memref<1x16x1024xf32, #tpu.memory_space<hbm>>
        %dma_wait3A_208 = tpu.memref_squeeze %dma_wait3A_207 : memref<1x16x1024xf32, #tpu.memory_space<hbm>> -> memref<16x1024xf32, #tpu.memory_space<hbm>>
        tpu.wait_dma2 semaphore(%arg17 : memref<!tpu.dma_semaphore, #tpu.memory_space<semaphore_mem>>) src(%arg9 : memref<16x1024xf32, #tpu.memory_space<vmem>>) dst(%dma_wait3A_208 : memref<16x1024xf32, #tpu.memory_space<hbm>>)
        %add3A_209 = arith.constant 1 : i32
        %add3A_210 = arith.addi %scan3A_54, %add3A_209 : i32
        %mul3A_211 = arith.constant 16 : i32
        %mul3A_212 = arith.muli %add3A_210, %mul3A_211 : i32
        %add3A_213 = arith.addi %mul3A_2, %mul3A_212 : i32
        %run_scoped3A_214 = arith.constant 0 : i32
        %run_scoped3A_215 = arith.constant 0 : i32
        "tpu.region"() ({
          %run_scoped3A_223 = tpu.sem_alloc : memref<!tpu.dma_semaphore, #tpu.memory_space<semaphore_mem>>
          %dma_start3A_224 = arith.constant 0 : i32
          %dma_start3A_225 = tpu.memref_slice %arg6[%run_scoped3A_215, %dma_start3A_224] : memref<4x16xi32, #tpu.memory_space<vmem>> -> memref<1x16xi32, #tpu.memory_space<vmem>>
          %dma_start3A_226 = tpu.memref_squeeze %dma_start3A_225 : memref<1x16xi32, #tpu.memory_space<vmem>> -> memref<16xi32, #tpu.memory_space<vmem>>
          %dma_start3A_227 = tpu.memref_slice %arg2[%run_scoped3A_214, %add3A_213] : memref<4x4096xi32, #tpu.memory_space<hbm>> -> memref<1x16xi32, #tpu.memory_space<hbm>>
          %dma_start3A_228 = tpu.memref_squeeze %dma_start3A_227 : memref<1x16xi32, #tpu.memory_space<hbm>> -> memref<16xi32, #tpu.memory_space<hbm>>
          %dma_start3A_229 = arith.constant 0 : i32
          %dma_start3A_230 = tpu.memref_slice %arg6[%run_scoped3A_215, %dma_start3A_229] : memref<4x16xi32, #tpu.memory_space<vmem>> -> memref<1x16xi32, #tpu.memory_space<vmem>>
          %dma_start3A_231 = tpu.memref_squeeze %dma_start3A_230 : memref<1x16xi32, #tpu.memory_space<vmem>> -> memref<16xi32, #tpu.memory_space<vmem>>
          %dma_start3A_232 = tpu.memref_slice %arg2[%run_scoped3A_214, %add3A_213] : memref<4x4096xi32, #tpu.memory_space<hbm>> -> memref<1x16xi32, #tpu.memory_space<hbm>>
          %dma_start3A_233 = tpu.memref_squeeze %dma_start3A_232 : memref<1x16xi32, #tpu.memory_space<hbm>> -> memref<16xi32, #tpu.memory_space<hbm>>
          tpu.enqueue_dma source(%dma_start3A_233 : memref<16xi32, #tpu.memory_space<hbm>>) target(%dma_start3A_231 : memref<16xi32, #tpu.memory_space<vmem>>) target_semaphore(%run_scoped3A_223 : memref<!tpu.dma_semaphore, #tpu.memory_space<semaphore_mem>>)
          %dma_wait3A_234 = arith.constant 0 : i32
          %dma_wait3A_235 = tpu.memref_slice %arg6[%run_scoped3A_215, %dma_wait3A_234] : memref<4x16xi32, #tpu.memory_space<vmem>> -> memref<1x16xi32, #tpu.memory_space<vmem>>
          %dma_wait3A_236 = tpu.memref_squeeze %dma_wait3A_235 : memref<1x16xi32, #tpu.memory_space<vmem>> -> memref<16xi32, #tpu.memory_space<vmem>>
          %dma_wait3A_237 = tpu.memref_slice %arg2[%run_scoped3A_214, %add3A_213] : memref<4x4096xi32, #tpu.memory_space<hbm>> -> memref<1x16xi32, #tpu.memory_space<hbm>>
          %dma_wait3A_238 = tpu.memref_squeeze %dma_wait3A_237 : memref<1x16xi32, #tpu.memory_space<hbm>> -> memref<16xi32, #tpu.memory_space<hbm>>
          %dma_wait3A_239 = arith.constant 0 : i32
          %dma_wait3A_240 = tpu.memref_slice %arg6[%run_scoped3A_215, %dma_wait3A_239] : memref<4x16xi32, #tpu.memory_space<vmem>> -> memref<1x16xi32, #tpu.memory_space<vmem>>
          %dma_wait3A_241 = tpu.memref_squeeze %dma_wait3A_240 : memref<1x16xi32, #tpu.memory_space<vmem>> -> memref<16xi32, #tpu.memory_space<vmem>>
          %dma_wait3A_242 = tpu.memref_slice %arg2[%run_scoped3A_214, %add3A_213] : memref<4x4096xi32, #tpu.memory_space<hbm>> -> memref<1x16xi32, #tpu.memory_space<hbm>>
          %dma_wait3A_243 = tpu.memref_squeeze %dma_wait3A_242 : memref<1x16xi32, #tpu.memory_space<hbm>> -> memref<16xi32, #tpu.memory_space<hbm>>
          tpu.wait_dma2 semaphore(%run_scoped3A_223 : memref<!tpu.dma_semaphore, #tpu.memory_space<semaphore_mem>>) src(%dma_wait3A_243 : memref<16xi32, #tpu.memory_space<hbm>>) dst(%dma_wait3A_241 : memref<16xi32, #tpu.memory_space<vmem>>)
          tpu.yield
        }) : () -> ()
        %dma_start3A_216 = arith.constant 0 : i32
        %dma_start3A_217 = arith.constant 0 : i32
        %dma_start3A_218 = tpu.memref_slice %arg6[%dma_start3A_216, %dma_start3A_217] : memref<4x16xi32, #tpu.memory_space<vmem>> -> memref<1x16xi32, #tpu.memory_space<vmem>>
        %dma_start3A_219 = tpu.memref_squeeze %dma_start3A_218 : memref<1x16xi32, #tpu.memory_space<vmem>> -> memref<16xi32, #tpu.memory_space<vmem>>
        %dma_start3A_220 = arith.constant 0 : i32
        %dma_start3A_221 = arith.constant 0 : i32
        %dma_start3A_222 = tpu.memref_slice %arg4[%dma_start3A_220, %dma_start3A_221] : memref<100000x1024xf32, #tpu.memory_space<hbm>> -> memref<100000x1024xf32, #tpu.memory_space<hbm>>
        tpu.enqueue_indirect_dma source(%dma_start3A_222 : memref<100000x1024xf32, #tpu.memory_space<hbm>>) target(%arg8 : memref<16x1024xf32, #tpu.memory_space<vmem>>) offsets(%dma_start3A_219 : memref<16xi32, #tpu.memory_space<vmem>>) semaphore(%arg12 : memref<!tpu.dma_semaphore, #tpu.memory_space<semaphore_mem>>)
      } else {
      }
      %dma_wait3A_169 = arith.constant 3 : i32
      %dma_wait3A_170 = arith.constant 0 : i32
      %dma_wait3A_171 = tpu.memref_slice %arg6[%dma_wait3A_169, %dma_wait3A_170] : memref<4x16xi32, #tpu.memory_space<vmem>> -> memref<1x16xi32, #tpu.memory_space<vmem>>
      %dma_wait3A_172 = tpu.memref_squeeze %dma_wait3A_171 : memref<1x16xi32, #tpu.memory_space<vmem>> -> memref<16xi32, #tpu.memory_space<vmem>>
      %dma_wait3A_173 = arith.constant 0 : i32
      %dma_wait3A_174 = arith.constant 0 : i32
      %dma_wait3A_175 = tpu.memref_slice %arg4[%dma_wait3A_173, %dma_wait3A_174] : memref<100000x1024xf32, #tpu.memory_space<hbm>> -> memref<100000x1024xf32, #tpu.memory_space<hbm>>
      tpu.wait_indirect_dma semaphore(%arg15 : memref<!tpu.dma_semaphore, #tpu.memory_space<semaphore_mem>>) src(%dma_wait3A_175 : memref<100000x1024xf32, #tpu.memory_space<hbm>>) dst(%arg11 : memref<16x1024xf32, #tpu.memory_space<vmem>>)
      %scan3A_176 = arith.constant 0 : i32
      %scan3A_177 = arith.constant 0 : i32
      %scan3A_178 = arith.constant 1024 : i32
      %scan3A_179 = arith.addi %scan3A_177, %scan3A_178 : i32
      %scan3A_180 = arith.constant 4 : i32
      scf.for %scan3A_199 = %scan3A_177 to %scan3A_179 step %scan3A_180  : i32 {
        %jit3A = arith.constant 64 : i32
        %div3A = arith.divsi %scan3A_199, %jit3A : i32
        %sign3A = arith.constant 0 : i32
        %sign3A_200 = arith.cmpi sgt, %scan3A_199, %sign3A : i32
        %sign3A_201 = arith.extui %sign3A_200 : i1 to i32
        %sign3A_202 = arith.constant 0 : i32
        %sign3A_203 = arith.cmpi slt, %scan3A_199, %sign3A_202 : i32
        %sign3A_204 = arith.extui %sign3A_203 : i1 to i32
        %sign3A_205 = arith.subi %sign3A_201, %sign3A_204 : i32
        %sign3A_206 = arith.constant 0 : i32
        %sign3A_207 = arith.cmpi sgt, %jit3A, %sign3A_206 : i32
        %sign3A_208 = arith.extui %sign3A_207 : i1 to i32
        %sign3A_209 = arith.constant 0 : i32
        %sign3A_210 = arith.cmpi slt, %jit3A, %sign3A_209 : i32
        %sign3A_211 = arith.extui %sign3A_210 : i1 to i32
        %sign3A_212 = arith.subi %sign3A_208, %sign3A_211 : i32
        %ne3A = arith.cmpi ne, %sign3A_205, %sign3A_212 : i32
        %rem3A = arith.remsi %scan3A_199, %jit3A : i32
        %ne3A_213 = arith.constant 0 : i32
        %ne3A_214 = arith.cmpi ne, %rem3A, %ne3A_213 : i32
        %and3A = arith.andi %ne3A, %ne3A_214 : i1
        %sub3A = arith.constant 1 : i32
        %sub3A_215 = arith.subi %div3A, %sub3A : i32
        %select_n3A = arith.select %and3A, %sub3A_215, %div3A : i32
        %jit3A_216 = arith.constant 64 : i32
        %eq3A = arith.constant 0 : i32
        %eq3A_217 = arith.cmpi eq, %jit3A_216, %eq3A : i32
        %jit3A_218 = arith.constant 1 : i32
        %select_n3A_219 = arith.select %eq3A_217, %jit3A_218, %jit3A_216 : i32
        %rem3A_220 = arith.remsi %scan3A_199, %select_n3A_219 : i32
        %ne3A_221 = arith.constant 0 : i32
        %ne3A_222 = arith.cmpi ne, %rem3A_220, %ne3A_221 : i32
        %lt3A_223 = arith.constant 0 : i32
        %lt3A_224 = arith.cmpi slt, %rem3A_220, %lt3A_223 : i32
        %lt3A_225 = arith.constant 0 : i32
        %lt3A_226 = arith.cmpi slt, %select_n3A_219, %lt3A_225 : i32
        %ne3A_227 = arith.xori %lt3A_224, %lt3A_226 : i1
        %and3A_228 = arith.andi %ne3A_227, %ne3A_222 : i1
        %add3A_229 = arith.addi %rem3A_220, %select_n3A_219 : i32
        %select_n3A_230 = arith.select %and3A_228, %add3A_229, %rem3A_220 : i32
        %mul3A_231 = arith.constant 16 : i32
        %mul3A_232 = arith.muli %select_n3A_230, %mul3A_231 : i32
        %get3A = arith.index_cast %select_n3A : i32 to index
        %get3A_233 = arith.index_cast %mul3A_232 : i32 to index
        %get3A_234 = tpu.vector_load %arg7[%get3A, %get3A_233] {strides = array<i32>} : memref<16x1024xf32, #tpu.memory_space<vmem>>, vector<1x16xf32>,
        %get3A_235 = vector.shape_cast %get3A_234 : vector<1x16xf32> to vector<16xf32>
        %swap3A = arith.index_cast %select_n3A : i32 to index
        %swap3A_236 = arith.index_cast %mul3A_232 : i32 to index
        %swap3A_237 = tpu.vector_load %arg11[%swap3A, %swap3A_236] {strides = array<i32>} : memref<16x1024xf32, #tpu.memory_space<vmem>>, vector<1x16xf32>,
        %swap3A_238 = vector.shape_cast %swap3A_237 : vector<1x16xf32> to vector<16xf32>
        %swap3A_239 = vector.shape_cast %get3A_235 : vector<16xf32> to vector<1x16xf32>
        tpu.vector_store %arg11[%swap3A, %swap3A_236], %swap3A_239 {add = true, strides = array<i32>} : memref<16x1024xf32, #tpu.memory_space<vmem>>, vector<1x16xf32>,
        %scan3A_240 = arith.constant 1 : i32
        %scan3A_241 = arith.addi %scan3A_199, %scan3A_240 : i32
        %jit3A_242 = arith.constant 64 : i32
        %div3A_243 = arith.divsi %scan3A_241, %jit3A_242 : i32
        %sign3A_244 = arith.constant 0 : i32
        %sign3A_245 = arith.cmpi sgt, %scan3A_241, %sign3A_244 : i32
        %sign3A_246 = arith.extui %sign3A_245 : i1 to i32
        %sign3A_247 = arith.constant 0 : i32
        %sign3A_248 = arith.cmpi slt, %scan3A_241, %sign3A_247 : i32
        %sign3A_249 = arith.extui %sign3A_248 : i1 to i32
        %sign3A_250 = arith.subi %sign3A_246, %sign3A_249 : i32
        %sign3A_251 = arith.constant 0 : i32
        %sign3A_252 = arith.cmpi sgt, %jit3A_242, %sign3A_251 : i32
        %sign3A_253 = arith.extui %sign3A_252 : i1 to i32
        %sign3A_254 = arith.constant 0 : i32
        %sign3A_255 = arith.cmpi slt, %jit3A_242, %sign3A_254 : i32
        %sign3A_256 = arith.extui %sign3A_255 : i1 to i32
        %sign3A_257 = arith.subi %sign3A_253, %sign3A_256 : i32
        %ne3A_258 = arith.cmpi ne, %sign3A_250, %sign3A_257 : i32
        %rem3A_259 = arith.remsi %scan3A_241, %jit3A_242 : i32
        %ne3A_260 = arith.constant 0 : i32
        %ne3A_261 = arith.cmpi ne, %rem3A_259, %ne3A_260 : i32
        %and3A_262 = arith.andi %ne3A_258, %ne3A_261 : i1
        %sub3A_263 = arith.constant 1 : i32
        %sub3A_264 = arith.subi %div3A_243, %sub3A_263 : i32
        %select_n3A_265 = arith.select %and3A_262, %sub3A_264, %div3A_243 : i32
        %jit3A_266 = arith.constant 64 : i32
        %eq3A_267 = arith.constant 0 : i32
        %eq3A_268 = arith.cmpi eq, %jit3A_266, %eq3A_267 : i32
        %jit3A_269 = arith.constant 1 : i32
        %select_n3A_270 = arith.select %eq3A_268, %jit3A_269, %jit3A_266 : i32
        %rem3A_271 = arith.remsi %scan3A_241, %select_n3A_270 : i32
        %ne3A_272 = arith.constant 0 : i32
        %ne3A_273 = arith.cmpi ne, %rem3A_271, %ne3A_272 : i32
        %lt3A_274 = arith.constant 0 : i32
        %lt3A_275 = arith.cmpi slt, %rem3A_271, %lt3A_274 : i32
        %lt3A_276 = arith.constant 0 : i32
        %lt3A_277 = arith.cmpi slt, %select_n3A_270, %lt3A_276 : i32
        %ne3A_278 = arith.xori %lt3A_275, %lt3A_277 : i1
        %and3A_279 = arith.andi %ne3A_278, %ne3A_273 : i1
        %add3A_280 = arith.addi %rem3A_271, %select_n3A_270 : i32
        %select_n3A_281 = arith.select %and3A_279, %add3A_280, %rem3A_271 : i32
        %mul3A_282 = arith.constant 16 : i32
        %mul3A_283 = arith.muli %select_n3A_281, %mul3A_282 : i32
        %get3A_284 = arith.index_cast %select_n3A_265 : i32 to index
        %get3A_285 = arith.index_cast %mul3A_283 : i32 to index
        %get3A_286 = tpu.vector_load %arg7[%get3A_284, %get3A_285] {strides = array<i32>} : memref<16x1024xf32, #tpu.memory_space<vmem>>, vector<1x16xf32>,
        %get3A_287 = vector.shape_cast %get3A_286 : vector<1x16xf32> to vector<16xf32>
        %swap3A_288 = arith.index_cast %select_n3A_265 : i32 to index
        %swap3A_289 = arith.index_cast %mul3A_283 : i32 to index
        %swap3A_290 = tpu.vector_load %arg11[%swap3A_288, %swap3A_289] {strides = array<i32>} : memref<16x1024xf32, #tpu.memory_space<vmem>>, vector<1x16xf32>,
        %swap3A_291 = vector.shape_cast %swap3A_290 : vector<1x16xf32> to vector<16xf32>
        %swap3A_292 = vector.shape_cast %get3A_287 : vector<16xf32> to vector<1x16xf32>
        tpu.vector_store %arg11[%swap3A_288, %swap3A_289], %swap3A_292 {add = true, strides = array<i32>} : memref<16x1024xf32, #tpu.memory_space<vmem>>, vector<1x16xf32>,
        %scan3A_293 = arith.constant 2 : i32
        %scan3A_294 = arith.addi %scan3A_199, %scan3A_293 : i32
        %jit3A_295 = arith.constant 64 : i32
        %div3A_296 = arith.divsi %scan3A_294, %jit3A_295 : i32
        %sign3A_297 = arith.constant 0 : i32
        %sign3A_298 = arith.cmpi sgt, %scan3A_294, %sign3A_297 : i32
        %sign3A_299 = arith.extui %sign3A_298 : i1 to i32
        %sign3A_300 = arith.constant 0 : i32
        %sign3A_301 = arith.cmpi slt, %scan3A_294, %sign3A_300 : i32
        %sign3A_302 = arith.extui %sign3A_301 : i1 to i32
        %sign3A_303 = arith.subi %sign3A_299, %sign3A_302 : i32
        %sign3A_304 = arith.constant 0 : i32
        %sign3A_305 = arith.cmpi sgt, %jit3A_295, %sign3A_304 : i32
        %sign3A_306 = arith.extui %sign3A_305 : i1 to i32
        %sign3A_307 = arith.constant 0 : i32
        %sign3A_308 = arith.cmpi slt, %jit3A_295, %sign3A_307 : i32
        %sign3A_309 = arith.extui %sign3A_308 : i1 to i32
        %sign3A_310 = arith.subi %sign3A_306, %sign3A_309 : i32
        %ne3A_311 = arith.cmpi ne, %sign3A_303, %sign3A_310 : i32
        %rem3A_312 = arith.remsi %scan3A_294, %jit3A_295 : i32
        %ne3A_313 = arith.constant 0 : i32
        %ne3A_314 = arith.cmpi ne, %rem3A_312, %ne3A_313 : i32
        %and3A_315 = arith.andi %ne3A_311, %ne3A_314 : i1
        %sub3A_316 = arith.constant 1 : i32
        %sub3A_317 = arith.subi %div3A_296, %sub3A_316 : i32
        %select_n3A_318 = arith.select %and3A_315, %sub3A_317, %div3A_296 : i32
        %jit3A_319 = arith.constant 64 : i32
        %eq3A_320 = arith.constant 0 : i32
        %eq3A_321 = arith.cmpi eq, %jit3A_319, %eq3A_320 : i32
        %jit3A_322 = arith.constant 1 : i32
        %select_n3A_323 = arith.select %eq3A_321, %jit3A_322, %jit3A_319 : i32
        %rem3A_324 = arith.remsi %scan3A_294, %select_n3A_323 : i32
        %ne3A_325 = arith.constant 0 : i32
        %ne3A_326 = arith.cmpi ne, %rem3A_324, %ne3A_325 : i32
        %lt3A_327 = arith.constant 0 : i32
        %lt3A_328 = arith.cmpi slt, %rem3A_324, %lt3A_327 : i32
        %lt3A_329 = arith.constant 0 : i32
        %lt3A_330 = arith.cmpi slt, %select_n3A_323, %lt3A_329 : i32
        %ne3A_331 = arith.xori %lt3A_328, %lt3A_330 : i1
        %and3A_332 = arith.andi %ne3A_331, %ne3A_326 : i1
        %add3A_333 = arith.addi %rem3A_324, %select_n3A_323 : i32
        %select_n3A_334 = arith.select %and3A_332, %add3A_333, %rem3A_324 : i32
        %mul3A_335 = arith.constant 16 : i32
        %mul3A_336 = arith.muli %select_n3A_334, %mul3A_335 : i32
        %get3A_337 = arith.index_cast %select_n3A_318 : i32 to index
        %get3A_338 = arith.index_cast %mul3A_336 : i32 to index
        %get3A_339 = tpu.vector_load %arg7[%get3A_337, %get3A_338] {strides = array<i32>} : memref<16x1024xf32, #tpu.memory_space<vmem>>, vector<1x16xf32>,
        %get3A_340 = vector.shape_cast %get3A_339 : vector<1x16xf32> to vector<16xf32>
        %swap3A_341 = arith.index_cast %select_n3A_318 : i32 to index
        %swap3A_342 = arith.index_cast %mul3A_336 : i32 to index
        %swap3A_343 = tpu.vector_load %arg11[%swap3A_341, %swap3A_342] {strides = array<i32>} : memref<16x1024xf32, #tpu.memory_space<vmem>>, vector<1x16xf32>,
        %swap3A_344 = vector.shape_cast %swap3A_343 : vector<1x16xf32> to vector<16xf32>
        %swap3A_345 = vector.shape_cast %get3A_340 : vector<16xf32> to vector<1x16xf32>
        tpu.vector_store %arg11[%swap3A_341, %swap3A_342], %swap3A_345 {add = true, strides = array<i32>} : memref<16x1024xf32, #tpu.memory_space<vmem>>, vector<1x16xf32>,
        %scan3A_346 = arith.constant 3 : i32
        %scan3A_347 = arith.addi %scan3A_199, %scan3A_346 : i32
        %jit3A_348 = arith.constant 64 : i32
        %div3A_349 = arith.divsi %scan3A_347, %jit3A_348 : i32
        %sign3A_350 = arith.constant 0 : i32
        %sign3A_351 = arith.cmpi sgt, %scan3A_347, %sign3A_350 : i32
        %sign3A_352 = arith.extui %sign3A_351 : i1 to i32
        %sign3A_353 = arith.constant 0 : i32
        %sign3A_354 = arith.cmpi slt, %scan3A_347, %sign3A_353 : i32
        %sign3A_355 = arith.extui %sign3A_354 : i1 to i32
        %sign3A_356 = arith.subi %sign3A_352, %sign3A_355 : i32
        %sign3A_357 = arith.constant 0 : i32
        %sign3A_358 = arith.cmpi sgt, %jit3A_348, %sign3A_357 : i32
        %sign3A_359 = arith.extui %sign3A_358 : i1 to i32
        %sign3A_360 = arith.constant 0 : i32
        %sign3A_361 = arith.cmpi slt, %jit3A_348, %sign3A_360 : i32
        %sign3A_362 = arith.extui %sign3A_361 : i1 to i32
        %sign3A_363 = arith.subi %sign3A_359, %sign3A_362 : i32
        %ne3A_364 = arith.cmpi ne, %sign3A_356, %sign3A_363 : i32
        %rem3A_365 = arith.remsi %scan3A_347, %jit3A_348 : i32
        %ne3A_366 = arith.constant 0 : i32
        %ne3A_367 = arith.cmpi ne, %rem3A_365, %ne3A_366 : i32
        %and3A_368 = arith.andi %ne3A_364, %ne3A_367 : i1
        %sub3A_369 = arith.constant 1 : i32
        %sub3A_370 = arith.subi %div3A_349, %sub3A_369 : i32
        %select_n3A_371 = arith.select %and3A_368, %sub3A_370, %div3A_349 : i32
        %jit3A_372 = arith.constant 64 : i32
        %eq3A_373 = arith.constant 0 : i32
        %eq3A_374 = arith.cmpi eq, %jit3A_372, %eq3A_373 : i32
        %jit3A_375 = arith.constant 1 : i32
        %select_n3A_376 = arith.select %eq3A_374, %jit3A_375, %jit3A_372 : i32
        %rem3A_377 = arith.remsi %scan3A_347, %select_n3A_376 : i32
        %ne3A_378 = arith.constant 0 : i32
        %ne3A_379 = arith.cmpi ne, %rem3A_377, %ne3A_378 : i32
        %lt3A_380 = arith.constant 0 : i32
        %lt3A_381 = arith.cmpi slt, %rem3A_377, %lt3A_380 : i32
        %lt3A_382 = arith.constant 0 : i32
        %lt3A_383 = arith.cmpi slt, %select_n3A_376, %lt3A_382 : i32
        %ne3A_384 = arith.xori %lt3A_381, %lt3A_383 : i1
        %and3A_385 = arith.andi %ne3A_384, %ne3A_379 : i1
        %add3A_386 = arith.addi %rem3A_377, %select_n3A_376 : i32
        %select_n3A_387 = arith.select %and3A_385, %add3A_386, %rem3A_377 : i32
        %mul3A_388 = arith.constant 16 : i32
        %mul3A_389 = arith.muli %select_n3A_387, %mul3A_388 : i32
        %get3A_390 = arith.index_cast %select_n3A_371 : i32 to index
        %get3A_391 = arith.index_cast %mul3A_389 : i32 to index
        %get3A_392 = tpu.vector_load %arg7[%get3A_390, %get3A_391] {strides = array<i32>} : memref<16x1024xf32, #tpu.memory_space<vmem>>, vector<1x16xf32>,
        %get3A_393 = vector.shape_cast %get3A_392 : vector<1x16xf32> to vector<16xf32>
        %swap3A_394 = arith.index_cast %select_n3A_371 : i32 to index
        %swap3A_395 = arith.index_cast %mul3A_389 : i32 to index
        %swap3A_396 = tpu.vector_load %arg11[%swap3A_394, %swap3A_395] {strides = array<i32>} : memref<16x1024xf32, #tpu.memory_space<vmem>>, vector<1x16xf32>,
        %swap3A_397 = vector.shape_cast %swap3A_396 : vector<1x16xf32> to vector<16xf32>
        %swap3A_398 = vector.shape_cast %get3A_393 : vector<16xf32> to vector<1x16xf32>
        tpu.vector_store %arg11[%swap3A_394, %swap3A_395], %swap3A_398 {add = true, strides = array<i32>} : memref<16x1024xf32, #tpu.memory_space<vmem>>, vector<1x16xf32>,
      }
      %scan3A_181 = arith.constant 1024 : i32
      %mul3A_182 = arith.constant 16 : i32
      %mul3A_183 = arith.muli %scan3A_54, %mul3A_182 : i32
      %add3A_184 = arith.addi %mul3A_2, %mul3A_183 : i32
      %dma_start3A_185 = arith.constant 3 : i32
      %dma_start3A_186 = arith.constant 0 : i32
      %dma_start3A_187 = tpu.memref_slice %arg5[%dma_start3A_185, %add3A_184, %dma_start3A_186] : memref<4x4096x1024xf32, #tpu.memory_space<hbm>> -> memref<1x16x1024xf32, #tpu.memory_space<hbm>>
      %dma_start3A_188 = tpu.memref_squeeze %dma_start3A_187 : memref<1x16x1024xf32, #tpu.memory_space<hbm>> -> memref<16x1024xf32, #tpu.memory_space<hbm>>
      %dma_start3A_189 = arith.constant 0 : i32
      %dma_start3A_190 = tpu.memref_slice %arg5[%dma_start3A_185, %add3A_184, %dma_start3A_189] : memref<4x4096x1024xf32, #tpu.memory_space<hbm>> -> memref<1x16x1024xf32, #tpu.memory_space<hbm>>
      %dma_start3A_191 = tpu.memref_squeeze %dma_start3A_190 : memref<1x16x1024xf32, #tpu.memory_space<hbm>> -> memref<16x1024xf32, #tpu.memory_space<hbm>>
      tpu.enqueue_dma source(%arg11 : memref<16x1024xf32, #tpu.memory_space<vmem>>) target(%dma_start3A_191 : memref<16x1024xf32, #tpu.memory_space<hbm>>) target_semaphore(%arg19 : memref<!tpu.dma_semaphore, #tpu.memory_space<semaphore_mem>>)
      %add3A_192 = arith.constant 1 : i32
      %add3A_193 = arith.addi %scan3A_54, %add3A_192 : i32
      %lt3A_194 = arith.constant 8 : i32
      %lt3A_195 = arith.cmpi slt, %add3A_193, %lt3A_194 : i32
      %convert_element_type3A_196 = arith.extui %lt3A_195 : i1 to i32
      %cond3A_197 = arith.constant 0 : i32
      %cond3A_198 = arith.cmpi ne, %convert_element_type3A_196, %cond3A_197 : i32
      scf.if %cond3A_198 {
        %mul3A_199 = arith.constant 16 : i32
        %mul3A_200 = arith.muli %scan3A_54, %mul3A_199 : i32
        %add3A_201 = arith.addi %mul3A_2, %mul3A_200 : i32
        %dma_wait3A_202 = arith.constant 2 : i32
        %dma_wait3A_203 = arith.constant 0 : i32
        %dma_wait3A_204 = tpu.memref_slice %arg5[%dma_wait3A_202, %add3A_201, %dma_wait3A_203] : memref<4x4096x1024xf32, #tpu.memory_space<hbm>> -> memref<1x16x1024xf32, #tpu.memory_space<hbm>>
        %dma_wait3A_205 = tpu.memref_squeeze %dma_wait3A_204 : memref<1x16x1024xf32, #tpu.memory_space<hbm>> -> memref<16x1024xf32, #tpu.memory_space<hbm>>
        %dma_wait3A_206 = arith.constant 0 : i32
        %dma_wait3A_207 = tpu.memref_slice %arg5[%dma_wait3A_202, %add3A_201, %dma_wait3A_206] : memref<4x4096x1024xf32, #tpu.memory_space<hbm>> -> memref<1x16x1024xf32, #tpu.memory_space<hbm>>
        %dma_wait3A_208 = tpu.memref_squeeze %dma_wait3A_207 : memref<1x16x1024xf32, #tpu.memory_space<hbm>> -> memref<16x1024xf32, #tpu.memory_space<hbm>>
        tpu.wait_dma2 semaphore(%arg18 : memref<!tpu.dma_semaphore, #tpu.memory_space<semaphore_mem>>) src(%arg10 : memref<16x1024xf32, #tpu.memory_space<vmem>>) dst(%dma_wait3A_208 : memref<16x1024xf32, #tpu.memory_space<hbm>>)
        %add3A_209 = arith.constant 1 : i32
        %add3A_210 = arith.addi %scan3A_54, %add3A_209 : i32
        %mul3A_211 = arith.constant 16 : i32
        %mul3A_212 = arith.muli %add3A_210, %mul3A_211 : i32
        %add3A_213 = arith.addi %mul3A_2, %mul3A_212 : i32
        %run_scoped3A_214 = arith.constant 1 : i32
        %run_scoped3A_215 = arith.constant 1 : i32
        "tpu.region"() ({
          %run_scoped3A_223 = tpu.sem_alloc : memref<!tpu.dma_semaphore, #tpu.memory_space<semaphore_mem>>
          %dma_start3A_224 = arith.constant 0 : i32
          %dma_start3A_225 = tpu.memref_slice %arg6[%run_scoped3A_215, %dma_start3A_224] : memref<4x16xi32, #tpu.memory_space<vmem>> -> memref<1x16xi32, #tpu.memory_space<vmem>>
          %dma_start3A_226 = tpu.memref_squeeze %dma_start3A_225 : memref<1x16xi32, #tpu.memory_space<vmem>> -> memref<16xi32, #tpu.memory_space<vmem>>
          %dma_start3A_227 = tpu.memref_slice %arg2[%run_scoped3A_214, %add3A_213] : memref<4x4096xi32, #tpu.memory_space<hbm>> -> memref<1x16xi32, #tpu.memory_space<hbm>>
          %dma_start3A_228 = tpu.memref_squeeze %dma_start3A_227 : memref<1x16xi32, #tpu.memory_space<hbm>> -> memref<16xi32, #tpu.memory_space<hbm>>
          %dma_start3A_229 = arith.constant 0 : i32
          %dma_start3A_230 = tpu.memref_slice %arg6[%run_scoped3A_215, %dma_start3A_229] : memref<4x16xi32, #tpu.memory_space<vmem>> -> memref<1x16xi32, #tpu.memory_space<vmem>>
          %dma_start3A_231 = tpu.memref_squeeze %dma_start3A_230 : memref<1x16xi32, #tpu.memory_space<vmem>> -> memref<16xi32, #tpu.memory_space<vmem>>
          %dma_start3A_232 = tpu.memref_slice %arg2[%run_scoped3A_214, %add3A_213] : memref<4x4096xi32, #tpu.memory_space<hbm>> -> memref<1x16xi32, #tpu.memory_space<hbm>>
          %dma_start3A_233 = tpu.memref_squeeze %dma_start3A_232 : memref<1x16xi32, #tpu.memory_space<hbm>> -> memref<16xi32, #tpu.memory_space<hbm>>
          tpu.enqueue_dma source(%dma_start3A_233 : memref<16xi32, #tpu.memory_space<hbm>>) target(%dma_start3A_231 : memref<16xi32, #tpu.memory_space<vmem>>) target_semaphore(%run_scoped3A_223 : memref<!tpu.dma_semaphore, #tpu.memory_space<semaphore_mem>>)
          %dma_wait3A_234 = arith.constant 0 : i32
          %dma_wait3A_235 = tpu.memref_slice %arg6[%run_scoped3A_215, %dma_wait3A_234] : memref<4x16xi32, #tpu.memory_space<vmem>> -> memref<1x16xi32, #tpu.memory_space<vmem>>
          %dma_wait3A_236 = tpu.memref_squeeze %dma_wait3A_235 : memref<1x16xi32, #tpu.memory_space<vmem>> -> memref<16xi32, #tpu.memory_space<vmem>>
          %dma_wait3A_237 = tpu.memref_slice %arg2[%run_scoped3A_214, %add3A_213] : memref<4x4096xi32, #tpu.memory_space<hbm>> -> memref<1x16xi32, #tpu.memory_space<hbm>>
          %dma_wait3A_238 = tpu.memref_squeeze %dma_wait3A_237 : memref<1x16xi32, #tpu.memory_space<hbm>> -> memref<16xi32, #tpu.memory_space<hbm>>
          %dma_wait3A_239 = arith.constant 0 : i32
          %dma_wait3A_240 = tpu.memref_slice %arg6[%run_scoped3A_215, %dma_wait3A_239] : memref<4x16xi32, #tpu.memory_space<vmem>> -> memref<1x16xi32, #tpu.memory_space<vmem>>
          %dma_wait3A_241 = tpu.memref_squeeze %dma_wait3A_240 : memref<1x16xi32, #tpu.memory_space<vmem>> -> memref<16xi32, #tpu.memory_space<vmem>>
          %dma_wait3A_242 = tpu.memref_slice %arg2[%run_scoped3A_214, %add3A_213] : memref<4x4096xi32, #tpu.memory_space<hbm>> -> memref<1x16xi32, #tpu.memory_space<hbm>>
          %dma_wait3A_243 = tpu.memref_squeeze %dma_wait3A_242 : memref<1x16xi32, #tpu.memory_space<hbm>> -> memref<16xi32, #tpu.memory_space<hbm>>
          tpu.wait_dma2 semaphore(%run_scoped3A_223 : memref<!tpu.dma_semaphore, #tpu.memory_space<semaphore_mem>>) src(%dma_wait3A_243 : memref<16xi32, #tpu.memory_space<hbm>>) dst(%dma_wait3A_241 : memref<16xi32, #tpu.memory_space<vmem>>)
          tpu.yield
        }) : () -> ()
        %dma_start3A_216 = arith.constant 1 : i32
        %dma_start3A_217 = arith.constant 0 : i32
        %dma_start3A_218 = tpu.memref_slice %arg6[%dma_start3A_216, %dma_start3A_217] : memref<4x16xi32, #tpu.memory_space<vmem>> -> memref<1x16xi32, #tpu.memory_space<vmem>>
        %dma_start3A_219 = tpu.memref_squeeze %dma_start3A_218 : memref<1x16xi32, #tpu.memory_space<vmem>> -> memref<16xi32, #tpu.memory_space<vmem>>
        %dma_start3A_220 = arith.constant 0 : i32
        %dma_start3A_221 = arith.constant 0 : i32
        %dma_start3A_222 = tpu.memref_slice %arg4[%dma_start3A_220, %dma_start3A_221] : memref<100000x1024xf32, #tpu.memory_space<hbm>> -> memref<100000x1024xf32, #tpu.memory_space<hbm>>
        tpu.enqueue_indirect_dma source(%dma_start3A_222 : memref<100000x1024xf32, #tpu.memory_space<hbm>>) target(%arg9 : memref<16x1024xf32, #tpu.memory_space<vmem>>) offsets(%dma_start3A_219 : memref<16xi32, #tpu.memory_space<vmem>>) semaphore(%arg13 : memref<!tpu.dma_semaphore, #tpu.memory_space<semaphore_mem>>)
      } else {
      }
    }
    %scan3A_27 = arith.constant 8 : i32
    %add3A_28 = arith.constant 112 : i32
    %add3A_29 = arith.addi %mul3A_2, %add3A_28 : i32
    %dma_wait3A = arith.constant 1 : i32
    %dma_wait3A_30 = arith.constant 0 : i32
    %dma_wait3A_31 = tpu.memref_slice %arg5[%dma_wait3A, %add3A_29, %dma_wait3A_30] : memref<4x4096x1024xf32, #tpu.memory_space<hbm>> -> memref<1x16x1024xf32, #tpu.memory_space<hbm>>
    %dma_wait3A_32 = tpu.memref_squeeze %dma_wait3A_31 : memref<1x16x1024xf32, #tpu.memory_space<hbm>> -> memref<16x1024xf32, #tpu.memory_space<hbm>>
    %dma_wait3A_33 = arith.constant 0 : i32
    %dma_wait3A_34 = tpu.memref_slice %arg5[%dma_wait3A, %add3A_29, %dma_wait3A_33] : memref<4x4096x1024xf32, #tpu.memory_space<hbm>> -> memref<1x16x1024xf32, #tpu.memory_space<hbm>>
    %dma_wait3A_35 = tpu.memref_squeeze %dma_wait3A_34 : memref<1x16x1024xf32, #tpu.memory_space<hbm>> -> memref<16x1024xf32, #tpu.memory_space<hbm>>
    tpu.wait_dma2 semaphore(%arg17 : memref<!tpu.dma_semaphore, #tpu.memory_space<semaphore_mem>>) src(%arg9 : memref<16x1024xf32, #tpu.memory_space<vmem>>) dst(%dma_wait3A_35 : memref<16x1024xf32, #tpu.memory_space<hbm>>)
    %add3A_36 = arith.constant 112 : i32
    %add3A_37 = arith.addi %mul3A_2, %add3A_36 : i32
    %dma_wait3A_38 = arith.constant 2 : i32
    %dma_wait3A_39 = arith.constant 0 : i32
    %dma_wait3A_40 = tpu.memref_slice %arg5[%dma_wait3A_38, %add3A_37, %dma_wait3A_39] : memref<4x4096x1024xf32, #tpu.memory_space<hbm>> -> memref<1x16x1024xf32, #tpu.memory_space<hbm>>
    %dma_wait3A_41 = tpu.memref_squeeze %dma_wait3A_40 : memref<1x16x1024xf32, #tpu.memory_space<hbm>> -> memref<16x1024xf32, #tpu.memory_space<hbm>>
    %dma_wait3A_42 = arith.constant 0 : i32
    %dma_wait3A_43 = tpu.memref_slice %arg5[%dma_wait3A_38, %add3A_37, %dma_wait3A_42] : memref<4x4096x1024xf32, #tpu.memory_space<hbm>> -> memref<1x16x1024xf32, #tpu.memory_space<hbm>>
    %dma_wait3A_44 = tpu.memref_squeeze %dma_wait3A_43 : memref<1x16x1024xf32, #tpu.memory_space<hbm>> -> memref<16x1024xf32, #tpu.memory_space<hbm>>
    tpu.wait_dma2 semaphore(%arg18 : memref<!tpu.dma_semaphore, #tpu.memory_space<semaphore_mem>>) src(%arg10 : memref<16x1024xf32, #tpu.memory_space<vmem>>) dst(%dma_wait3A_44 : memref<16x1024xf32, #tpu.memory_space<hbm>>)
    %add3A_45 = arith.constant 112 : i32
    %add3A_46 = arith.addi %mul3A_2, %add3A_45 : i32
    %dma_wait3A_47 = arith.constant 3 : i32
    %dma_wait3A_48 = arith.constant 0 : i32
    %dma_wait3A_49 = tpu.memref_slice %arg5[%dma_wait3A_47, %add3A_46, %dma_wait3A_48] : memref<4x4096x1024xf32, #tpu.memory_space<hbm>> -> memref<1x16x1024xf32, #tpu.memory_space<hbm>>
    %dma_wait3A_50 = tpu.memref_squeeze %dma_wait3A_49 : memref<1x16x1024xf32, #tpu.memory_space<hbm>> -> memref<16x1024xf32, #tpu.memory_space<hbm>>
    %dma_wait3A_51 = arith.constant 0 : i32
    %dma_wait3A_52 = tpu.memref_slice %arg5[%dma_wait3A_47, %add3A_46, %dma_wait3A_51] : memref<4x4096x1024xf32, #tpu.memory_space<hbm>> -> memref<1x16x1024xf32, #tpu.memory_space<hbm>>
    %dma_wait3A_53 = tpu.memref_squeeze %dma_wait3A_52 : memref<1x16x1024xf32, #tpu.memory_space<hbm>> -> memref<16x1024xf32, #tpu.memory_space<hbm>>
    tpu.wait_dma2 semaphore(%arg19 : memref<!tpu.dma_semaphore, #tpu.memory_space<semaphore_mem>>) src(%arg11 : memref<16x1024xf32, #tpu.memory_space<vmem>>) dst(%dma_wait3A_53 : memref<16x1024xf32, #tpu.memory_space<hbm>>)
    return
  }
}

</mosaic_0001>

<sc_bundles>
// kernel: _sc_embed.3.cloned.1.call-start
scs
__scs_entry_jumppad:
0x0: {  	(pc) =	sbr.rel $0x88, $3  }
0x1: {  	(tag) =	ssettag $0x0;
	lr =	simm.s32 $0x1  }
0x2: {  	[smem:$0x3F9E] =	sst lr;
	_ =	strace $0xD0000000  }
0x3: {  	_ = 	snop  }
0x4: {  	_ = 	snop  }
0x5: {  	_ = 	snop  }
0x6: {  	_ = 	snop  }
0x7: {  	_ = 	snop  }
__scs_overlays_trampoline_lowered:
0x8: {  	[smem:$0x3FAD] =	sst s0  }
0x9: {  	[smem:$0x3FAE] =	sst s1  }
0xa: {  	[smem:$0x3FAF] =	sst s2  }
0xb: {  	[smem:$0x3FB0] =	sst s3  }
0xc: {  	[smem:$0x3FB1] =	sst s4  }
0xd: {  	[smem:$0x3FB2] =	sst s5  }
0xe: {  	[smem:$0x3FB3] =	sst s6  }
0xf: {  	[smem:$0x3FB4] =	sst s7  }
0x10: {  	[smem:$0x3FB5] =	sst s8  }
0x11: {  	[smem:$0x3FB6] =	sst s9;
	s0 =	simm.s32 @!p0 $0x0  }
0x12: {  	s1 =	sld [smem:$0x3F9C];
	s0 =	simm.s32 @p0 $0x1  }
0x13: {  	[smem:$0x3FB7] =	sst s0;
	s0 =	simm.s32 @!p1 $0x0  }
0x14: {  	s2 =	sld [smem:$0x3F9B];
	s0 =	simm.s32 @p1 $0x1  }
0x15: {  	[smem:$0x3FB8] =	sst s0;
	s0 =	simm.s32 @!p2 $0x0  }
0x16: {  	s3 =	sld [smem:$0x3FDB];
	s0 =	simm.s32 @p2 $0x1  }
0x17: {  	s4 =	simm.s32 $0x1BF5;
	[smem:$0x3FBA] =	sst s0  }
0x18: {  	s0 =	sld [smem:$0x3F9D];
	_ =	swait.ge [sflag:s4], $0x0  }
0x19: {  	s7 =	sld [smem:$0x3F9E]  }
0x1a: {  	s8 =	sadd.s32 $0xFFFFE003, lr  }
0x1b: {  	s9 =	sadd.s32 $0xFFFFFEF7, lr;
	s5 =	simm.s32 $0xFFFFFFFF;
	p2 =	slt.u32 s8, $0xFFFFF086  }
0x1c: {  	p1 =	slt.u32 s9, $0xF7A;
	s5 =	simm.s32 @!p2 $0x0  }
0x1d: {  	s5 =	simm.s32 @p1 $0x1;
	p0 =	seq.s32 s7, s2  }
0x1e: {  	s7 =	smul.u32 @!p0 $0xF7A, s2;
	p2 =	seq.s32 @!p0 s5, $0x0  }
0x1f: {  	s9 =	smul.u32 $0xF7A, s1;
	s8 =	simm.s32 @!p0 $0x1BF5;
	p2 =	por !p2, p0  }
0x20: {  	[sflag:s8] =	ssyncset.s32 @!p0 $0xFFFFF086;
	s6 =	sadd.s32 @!p0 s3, s7;
	s7 =	simm.s32 @!p0 $0x108  }
0x21: {  	s3 =	sadd.s32 s3, s9;
	s6 =	sadd.s32 @!p0 $0x88, s6;
	s7 =	simm.s32 @p2 $0x1082  }
0x22: {  	[simem:s7], [sflag:s8] =	dma.local @!p0 [hbm:s6], $0xF7A  }
0x23: {  	s9 =	sor.u32 $0xD0000000, s2;
	s6 =	simm.s32 $0x108;
	_ =	swait.ge @!p0 [sflag:s8], $0x0  }
0x24: {  	s3 =	sadd.s32 $0x88, s3;
	s6 =	simm.s32 @!p1 $0x1082;
	[sflag:s4] =	ssyncset.s32 $0xFFFFF086  }
0x25: {  	[simem:s6], [sflag:s4] =	dma.local [hbm:s3], $0xF7A  }
0x26: {  	[smem:$0x3F9E] =	sst s1;
	(tag) =	ssettag s2;
	_ =	strace s9  }
0x27: {  	s1 =	sld [smem:$0x3FAE]  }
0x28: {  	s2 =	sld [smem:$0x3FAF]  }
0x29: {  	s4 =	sld [smem:$0x3FB1]  }
0x2a: {  	p0 =	seq.s32 s5, $0x0;
	s5 =	sld [smem:$0x3FB2]  }
0x2b: {  	s6 =	sld [smem:$0x3FB3]  }
0x2c: {  	s7 =	sld [smem:$0x3FB4]  }
0x2d: {  	s3 =	simm.s32 $0x108;
	s8 =	sld [smem:$0x3FB5]  }
0x2e: {  	s3 =	simm.s32 @!p0 $0x1082;
	s9 =	sld [smem:$0x3FB6]  }
0x2f: {  	lr =	sadd.s32 s0, s3;
	s0 =	sld [smem:$0x3FAD]  }
0x30: {  	s3 =	sld [smem:$0x3FB0]  }
0x31: {  	[smem:$0x3FB9] =	sst s10  }
0x32: {  	s10 =	sld [smem:$0x3FB7];
	_ =	sdelay $0x3  }
0x33: {  	p0 =	seq.s32 s10, $0x1;
	s10 =	sld [smem:$0x3FB9];
	_ =	sdelay $0x3  }
0x34: {  	[smem:$0x3FB9] =	sst s10  }
0x35: {  	s10 =	sld [smem:$0x3FB8];
	_ =	sdelay $0x3  }
0x36: {  	p1 =	seq.s32 s10, $0x1;
	s10 =	sld [smem:$0x3FB9];
	_ =	sdelay $0x3  }
0x37: {  	[smem:$0x3FB9] =	sst s10  }
0x38: {  	s10 =	sld [smem:$0x3FBA]  }
0x39: {  	_ = 	snop;
	(pc) =	sbr.ind lr, $3  }
0x3a: {  	_ = 	snop  }
0x3b: {  	_ = 	snop  }
0x3c: {  	p2 =	seq.s32 s10, $0x1;
	s10 =	sld [smem:$0x3FB9]  }
0x3d: {  	_ =	shalt  }
0x3e: {  	_ =	shalt  }
0x3f: {  	_ =	shalt  }
0x40: {  	_ =	shalt  }
0x41: {  	_ =	shalt  }
0x42: {  	_ =	shalt  }
0x43: {  	_ =	shalt  }
0x44: {  	_ =	shalt  }
0x45: {  	_ =	shalt  }
0x46: {  	_ =	shalt  }
0x47: {  	_ =	shalt  }
0x48: {  	_ =	shalt  }
0x49: {  	_ =	shalt  }
0x4a: {  	_ =	shalt  }
0x4b: {  	_ =	shalt  }
0x4c: {  	_ =	shalt  }
0x4d: {  	_ =	shalt  }
0x4e: {  	_ =	shalt  }
0x4f: {  	_ =	shalt  }
0x50: {  	_ =	shalt  }
0x51: {  	_ =	shalt  }
0x52: {  	_ =	shalt  }
0x53: {  	_ =	shalt  }
0x54: {  	_ =	shalt  }
0x55: {  	_ =	shalt  }
0x56: {  	_ =	shalt  }
0x57: {  	_ =	shalt  }
0x58: {  	_ =	shalt  }
0x59: {  	_ =	shalt  }
0x5a: {  	_ =	shalt  }
0x5b: {  	_ =	shalt  }
0x5c: {  	_ =	shalt  }
0x5d: {  	_ =	shalt  }
0x5e: {  	_ =	shalt  }
0x5f: {  	_ =	shalt  }
0x60: {  	_ =	shalt  }
0x61: {  	_ =	shalt  }
0x62: {  	_ =	shalt  }
0x63: {  	_ =	shalt  }
0x64: {  	_ =	shalt  }
0x65: {  	_ =	shalt  }
0x66: {  	_ =	shalt  }
0x67: {  	_ =	shalt  }
0x68: {  	_ =	shalt  }
0x69: {  	_ =	shalt  }
0x6a: {  	_ =	shalt  }
0x6b: {  	_ =	shalt  }
0x6c: {  	_ =	shalt  }
0x6d: {  	_ =	shalt  }
0x6e: {  	_ =	shalt  }
0x6f: {  	_ =	shalt  }
0x70: {  	_ =	shalt  }
0x71: {  	_ =	shalt  }
0x72: {  	_ =	shalt  }
0x73: {  	_ =	shalt  }
0x74: {  	_ =	shalt  }
0x75: {  	_ =	shalt  }
0x76: {  	_ =	shalt  }
0x77: {  	_ =	shalt  }
0x78: {  	_ =	shalt  }
0x79: {  	_ =	shalt  }
0x7a: {  	_ =	shalt  }
0x7b: {  	_ =	shalt  }
0x7c: {  	_ =	shalt  }
0x7d: {  	_ =	shalt  }
0x7e: {  	_ =	shalt  }
0x7f: {  	_ =	shalt  }
0x80: {  	_ =	shalt  }
0x81: {  	_ =	shalt  }
0x82: {  	_ =	shalt  }
0x83: {  	_ =	shalt  }
0x84: {  	_ =	shalt  }
0x85: {  	_ =	shalt  }
0x86: {  	_ =	shalt  }
0x87: {  	_ =	shalt  }
.Lfunc_end0:
.L_simem_size_0:
called_computation_lowered:
.L_overlay_start_0:
0x88: {  	s2 =	sld [smem:$0x3FD9]  }
0x89: {  	s3 =	sld [smem:$0x3FFE];
	_ =	sdelay $0x1  }
0x8a: {  	s1 =	srdreg.scid  }
0x8b: {  	s0 =	sand.u32 $0x1, s1  }
0x8c: {  	s18 =	sshll.u32 s0, $0xA;
	s2 =	sadd.s32 s3, s2  }
0x8d: {  	s2 =	sadd.s32 s2, s18  }
0x8e: {  	[smem:$0x3FC5] =	sst s2  }
0x8f: {  	_ = 	snop  }
0x90: {  	s2 =	sld [smem:$0x3FC9]  }
0x91: {  	s19 =	sld [smem:$0x3FC8]  }
0x92: {  	s4 =	sld [smem:$0x3FC7]  }
0x93: {  	s5 =	sld [smem:$0x3FD0];
	(tm) =	ssettm $0x1  }
0x94: {  	s6 =	sld [smem:$0x3FFB];
	_ =	sdelay $0x3  }
0x95: {  	_ =	strace s6  }
0x96: {  	s6 =	sld [smem:$0x3FFC];
	_ =	sdelay $0x3  }
0x97: {  	_ =	strace s6  }
0x98: {  	s6 =	sld [smem:$0x3FFD];
	_ =	sdelay $0x3  }
0x99: {  	_ =	strace s6  }
0x9a: {  	_ =	strace $0x8FFFFFFF  }
0x9b: {  	s20 =	sld [smem:$0x3FDB];
	_ =	sdelay $0x1  }
0x9c: {  	s7 =	simm.s32 $_scs_section_size  }
0x9d: {  	s8 =	simm.s32 $_size__tile_overlayer_lowered;
	s9 =	simm.s32 $_tile_overlayer_lowered  }
0x9e: {  	s23 =	simm.s32 $0x1BFF;
	s22 =	sshll.u32 s9, $0x1;
	s6 =	sadd.s32 s7, s20  }
0x9f: {  	s10 =	simm.s32 $0x0;
	s21 =	sshll.u32 s8, $0x1;
	s8 =	sadd.s32 s22, s6  }
0xa0: {  	[timem:s10], [sflag:s23] =	dma.local [hbm:s8], s21  }
0xa1: {  	_ =	swait.ge [sflag:s23], s21  }
0xa2: {  	s7 =	ssub.s32 $0x0, s21;
	[sflag:s23] =	ssyncset.done $0x0  }
0xa3: {  	[sflag:s23] =	ssyncadd.s32 s7;
	_ =	sdelay $0x1  }
0xa4: {  	s24 =	simm.s32 $0x1B8B  }
0xa5: {  	_ =	swait.ge [sflag:s24], $0x1  }
0xa6: {  	[sflag:s24] =	ssyncset.done $0x0  }
0xa7: {  	s25 =	simm.s32 $0x1B8E;
	[sflag:s24] =	ssyncadd.s32 $0xFFFFFFFF  }
0xa8: {  	s26 =	simm.s32 $execute0_lowered;
	[smem:$0x3FD2] =	sst s25  }
0xa9: {  	s7 =	sshll.u32 s26, $0x1;
	_ =	strace $0x80000046;
	[dreg:$0x1] =	wrdreg $0xFFFFFFFF  }
0xaa: {  	s28 =	simm.s32 $_size_execute0_lowered;
	s6 =	sadd.s32 s6, s7;
	[dreg:$0x0] =	wrdreg $0x0  }
0xab: {  	s7 =	sshll.u32 s28, $0x1;
	[dreg:$0x2] =	wrdreg s6  }
0xac: {  	[dreg:$0x3] =	wrdreg s7  }
0xad: {  	[dreg:$0x4] =	wrdreg $0xC0  }
0xae: {  	_ =	task [dreg:s10], $0x5FFFF  }
0xaf: {  	[dreg:$0x1] =	wrdreg $0xFFFFFFFF  }
0xb0: {  	[dreg:$0x0] =	wrdreg $0x60  }
0xb1: {  	[dreg:$0x2] =	wrdreg s2  }
0xb2: {  	[dreg:$0x3] =	wrdreg s19  }
0xb3: {  	[dreg:$0x4] =	wrdreg s4  }
0xb4: {  	[dreg:$0x5] =	wrdreg s5  }
0xb5: {  	[dreg:$0x6] =	wrdreg $0x9  }
0xb6: {  	_ =	task.clear_ibuf [dreg:s10], $0x7FFFF;
	_ =	strace $0x90000046  }
0xb7: {  	s29 =	simm.s32 $0x9;
	_ =	strace $0x80000048  }
0xb8: {  	_ =	swait.ge [sflag:s29], $0x1  }
0xb9: {  	[sflag:s29] =	ssyncadd.s32 $0xFFFFFFFF  }
0xba: {  	_ =	strace $0x90000048  }
0xbb: {  	_ =	sfence  }
0xbc: {  	s30 =	sld [smem:$0x0];
	_ =	sdelay $0x2  }
0xbd: {  	s31 =	sshll.u32 s1, $0xD;
	s1 =	sshrl.u32 s1, $0x2  }
0xbe: {  	s3 =	sand.u32 $0x4000, s31;
	s1 =	sadd.s32 s1, s30  }
0xbf: {  	s0 =	sor.u32 s3, s0;
	s1 =	sshll.u32 s1, $0x11  }
0xc0: {  	s0 =	sor.u32 s1, s0  }
0xc1: {  	s0 =	sadd.s32 $0x8F2B, s0  }
0xc2: {  	[sflag:s0] =	ssyncadd.remote.s32 $0x1  }
0xc3: {  	_ =	sfence.sel $0xFFFF  }
0xc4: {  	[dreg:$0x0] =	wrdreg $0xFFFFFFFF;
	(pc) =	sbr.abs _section_cstart, $3  }
0xc5: {  	[dreg:$0x1] =	wrdreg $0xFFFFFFFF  }
0xc6: {  	_ =	task.clear_ibuf [dreg:s10], $0x2FFFF;
	_ =	strace $0x9FFFFFFF  }
0xc7: {  	(tm) =	ssettm $0x7FFFFFFF  }
tec
execute0_lowered:
.L_overlay_start_1:
0x0: {  	(tag) =	ssettag $0x1  }
0x1: {  	s3 =	rddreg [dreg:$0x0]  }
0x2: {  	s4 =	rddreg [dreg:$0x2]  }
0x3: {  	s5 =	rddreg [dreg:$0x3];
	s0 =	srdreg.scid  }
0x4: {  	s1 =	stileid.u32;
	s6 =	simm.s32 $0x0;
	s21 =	simm.s32 $0x9  }
0x5: {  	s30 =	simm.s32 $0x1;
	s23 =	simm.s32 $0xC200;
	s20 =	simm.s32 $0x2  }
0x6: {  	s29 =	simm.s32 $0x3;
	s8 =	simm.s32 $0x4;
	s0 =	sand.u32 $0x1, s0  }
0x7: {  	s1 =	sshll.u32 s1, $0x8;
	[smem:$0x7FF] =	sst s6;
	s9 =	sadd.s32 $0x100, s4  }
0x8: {  	s10 =	sadd.s32 $0x200, s4;
	s11 =	sadd.s32 $0x300, s4;
	s28 =	sadd.s32 $0x10, s3  }
0x9: {  	s15 =	sadd.s32 $0x20, s3;
	s16 =	sadd.s32 $0x80000, s5;
	s17 =	sadd.s32 $0x30, s3  }
0xa: {  	s18 =	sadd.s32 $0x100000, s5;
	s19 =	sadd.s32 $0x180000, s5;
	s2 =	sshll.u32 s0, $0x7  }
0xb: {  	s5 =	simm.s32 $0x10200;
	s0 =	ssub.s32 $0x2, s0;
	s7 =	sor.u32 s2, s1  }
0xc: {  	_ =	strace $0x80000047;
	s2 =	sshrl.u32 s7, $0x1;
	s31 =	sshll.u32 s7, $0x2  }
0xd: {  	s25 =	sshrl.u32 s0, $0x1;
	s26 =	sadd.s32 s3, s2;
	[dreg:$0x7] =	wrdreg s31  }
0xe: {  	v2 =	vlaneseq.u32;
	s0 =	ssub.s32 s0, s25;
	s1 =	sadd.s32 s2, s28;
	[dreg:$0x5] =	wrdreg s26  }
0xf: {  	vm0 =	vmmov $0xffff;
	v1 =	vshrl.u32 v2, $0x3;
	s14 =	smov.u32 s28;
	s0 =	smax.u32 s0, $0x1;
	[dreg:$0x6] =	wrdreg s1  }
0x10: {  	v0 =	vand.u32 $0x7, v2;
	v2 =	vor.u32 $0x8, v2;
	v1 =	vmul.u32 $0x8, v1;
	s2 =	simm.s32 $0x5;
	s3 =	simm.s32 $0x0;
	[dreg:$0x8] =	wrdreg s0  }
.LBB2_1:
0x11: {  	[dreg:$0x9] =	wrdreg s3  }
0x12: {  	s0 =	rddreg [dreg:$0x5]  }
0x13: {  	[tilespmem:s6], [sflag:$0x9] =	stream.linear.gather [hbm4b:s0+s6], $0x10, $0x38;
	[tilespmem:$0x14200] =	vst v63  }
0x14: {  	_ =	swait.ge [sflag:s21], $0x10  }
0x15: {  	[sflag:s21] =	ssyncset.done $0x0  }
0x16: {  	[sflag:s21] =	ssyncadd.s32 $0xFFFFFFF0  }
0x17: {  	v3 =	vld [tilespmem:$0x0];
	_ =	sdelay $0x4  }
0x18: {  	v4 =	vshll.u32 v3, $0x3  }
0x19: {  	v3 =	vand.u32 $0x7, v3;
	v4 =	vand.u32 $0xFFFFFFC0, v4  }
0x1a: {  	v3 =	vor.u32 v3, v4  }
0x1b: {  	v4 =	vperm.xlane v3, v0;
	_ =	sdelay $0x1  }
0x1c: {  	v4 =	vadd.s32 v1, v4;
	_ =	sdelay $0x3  }
0x1d: {  	s13 =	simm.s32 $0x4200  }
0x1e: {  	[tilespmem:s13], [sflag:$0x1] =	stream.indirect_vreg.gather [hbm4b:s4+s6], $0x80, v4, vm0, $0xb8;
	[tilespmem:$0x14200] =	vst v63  }
0x1f: {  	s22 =	simm.s32 $0x4A00;
	v3 =	vperm.xlane v3, v2  }
0x20: {  	[tilespmem:s22], [sflag:$0x1] =	stream.indirect_vreg.gather [hbm4b:s9+s6], $0x80, v4, vm0, $0xb8;
	[tilespmem:$0x14200] =	vst v63  }
0x21: {  	s24 =	simm.s32 $0x5200;
	v3 =	vadd.s32 v1, v3  }
0x22: {  	[tilespmem:s24], [sflag:$0x1] =	stream.indirect_vreg.gather [hbm4b:s10+s6], $0x80, v4, vm0, $0xb8;
	[tilespmem:$0x14200] =	vst v63  }
0x23: {  	s25 =	simm.s32 $0x5A00  }
0x24: {  	[tilespmem:s25], [sflag:$0x1] =	stream.indirect_vreg.gather [hbm4b:s11+s6], $0x80, v4, vm0, $0xb8;
	[tilespmem:$0x14200] =	vst v63  }
0x25: {  	s26 =	simm.s32 $0x6200  }
0x26: {  	[tilespmem:s26], [sflag:$0x1] =	stream.indirect_vreg.gather [hbm4b:s4+s6], $0x80, v3, vm0, $0xb8;
	[tilespmem:$0x14200] =	vst v63  }
0x27: {  	s28 =	simm.s32 $0x6A00  }
0x28: {  	[tilespmem:s28], [sflag:$0x1] =	stream.indirect_vreg.gather [hbm4b:s9+s6], $0x80, v3, vm0, $0xb8;
	[tilespmem:$0x14200] =	vst v63  }
0x29: {  	s31 =	simm.s32 $0x7200  }
0x2a: {  	[tilespmem:s31], [sflag:$0x1] =	stream.indirect_vreg.gather [hbm4b:s10+s6], $0x80, v3, vm0, $0xb8;
	[tilespmem:$0x14200] =	vst v63  }
0x2b: {  	s1 =	simm.s32 $0x7A00  }
0x2c: {  	[tilespmem:s1], [sflag:$0x1] =	stream.indirect_vreg.gather [hbm4b:s11+s6], $0x80, v3, vm0, $0xb8;
	[tilespmem:$0x14200] =	vst v63  }
0x2d: {  	s3 =	rddreg [dreg:$0x6];
	s1 =	simm.s32 $0x80  }
0x2e: {  	[tilespmem:s1], [sflag:$0x9] =	stream.linear.gather [hbm4b:s3+s6], $0x10, $0x38;
	[tilespmem:$0x14200] =	vst v63  }
0x2f: {  	_ =	swait.ge [sflag:s21], $0x10  }
0x30: {  	[sflag:s21] =	ssyncset.done $0x0  }
0x31: {  	[sflag:s21] =	ssyncadd.s32 $0xFFFFFFF0  }
0x32: {  	v3 =	vld [tilespmem:$0x80];
	_ =	sdelay $0x4  }
0x33: {  	v63 =	vshll.u32 v3, $0x3  }
0x34: {  	v3 =	vand.u32 $0x7, v3;
	v4 =	vand.u32 $0xFFFFFFC0, v63  }
0x35: {  	v3 =	vor.u32 v3, v4  }
0x36: {  	v4 =	vperm.xlane v3, v0;
	_ =	sdelay $0x1  }
0x37: {  	v4 =	vadd.s32 v1, v4;
	_ =	sdelay $0x3  }
0x38: {  	s12 =	simm.s32 $0x8200  }
0x39: {  	[tilespmem:s12], [sflag:$0x2] =	stream.indirect_vreg.gather [hbm4b:s4+s6], $0x80, v4, vm0, $0xb8;
	[tilespmem:$0x14200] =	vst v63  }
0x3a: {  	s13 =	simm.s32 $0x8A00;
	v3 =	vperm.xlane v3, v2  }
0x3b: {  	[tilespmem:s13], [sflag:$0x2] =	stream.indirect_vreg.gather [hbm4b:s9+s6], $0x80, v4, vm0, $0xb8;
	[tilespmem:$0x14200] =	vst v63  }
0x3c: {  	s22 =	simm.s32 $0x9200;
	v3 =	vadd.s32 v1, v3  }
0x3d: {  	[tilespmem:s22], [sflag:$0x2] =	stream.indirect_vreg.gather [hbm4b:s10+s6], $0x80, v4, vm0, $0xb8;
	[tilespmem:$0x14200] =	vst v63  }
0x3e: {  	s24 =	simm.s32 $0x9A00  }
0x3f: {  	[tilespmem:s24], [sflag:$0x2] =	stream.indirect_vreg.gather [hbm4b:s11+s6], $0x80, v4, vm0, $0xb8;
	[tilespmem:$0x14200] =	vst v63  }
0x40: {  	s25 =	simm.s32 $0xA200  }
0x41: {  	[tilespmem:s25], [sflag:$0x2] =	stream.indirect_vreg.gather [hbm4b:s4+s6], $0x80, v3, vm0, $0xb8;
	[tilespmem:$0x14200] =	vst v63  }
0x42: {  	s26 =	simm.s32 $0xAA00  }
0x43: {  	[tilespmem:s26], [sflag:$0x2] =	stream.indirect_vreg.gather [hbm4b:s9+s6], $0x80, v3, vm0, $0xb8;
	[tilespmem:$0x14200] =	vst v63  }
0x44: {  	s28 =	simm.s32 $0xB200  }
0x45: {  	[tilespmem:s28], [sflag:$0x2] =	stream.indirect_vreg.gather [hbm4b:s10+s6], $0x80, v3, vm0, $0xb8;
	[tilespmem:$0x14200] =	vst v63  }
0x46: {  	s0 =	simm.s32 $0x0;
	s31 =	simm.s32 $0xBA00  }
0x47: {  	[tilespmem:s31], [sflag:$0x2] =	stream.indirect_vreg.gather [hbm4b:s11+s6], $0x80, v3, vm0, $0xb8;
	[tilespmem:$0x14200] =	vst v63  }
.LBB2_2:
0x48: {  	_ =	swait.ge [sflag:s30], $0x4000  }
0x49: {  	s1 =	sshll.u32 s0, $0x4;
	[sflag:s30] =	ssyncset.done $0x0  }
0x4a: {  	s3 =	sor.u32 s7, s1;
	[sflag:s30] =	ssyncadd.s32 $0xFFFFC000  }
0x4b: {  	s22 =	simm.s32 $0x0;
	s13 =	sshll.u32 s3, $0x7;
	s26 =	rddreg [dreg:$0x1]  }
0x4c: {  	s12 =	simm.s32 $0x200;
	s28 =	simm.s32 $0x0;
	s3 =	sadd.s32 s26, s13  }
0x4d: {  	[tilespmem:s12], [sflag:$0x9] =	stream.linear.gather [hbm4b:s3+s22], $0x4000, $0x38;
	[tilespmem:$0x14200] =	vst v63  }
0x4e: {  	s25 =	simm.s32 $0x0;
	s24 =	sand.u32 $0x1C00, s22;
	s3 =	sand.u32 $0x2000, s28  }
0x4f: {  	s12 =	sand.u32 $0x380, s25;
	_ =	swait.ge [sflag:s21], $0x4000;
	s3 =	sor.u32 s24, s3  }
0x50: {  	s22 =	sand.u32 $0x40, s22;
	[sflag:s21] =	ssyncset.done $0x0;
	s3 =	sor.u32 s12, s3  }
0x51: {  	[sflag:s21] =	ssyncadd.s32 $0xFFFFC000;
	s22 =	sor.u32 s22, s3  }
0x52: {  	v4 =	vld [tilespmem:s22+$0x230]  }
0x53: {  	v5 =	vld [tilespmem:s22+$0x200]  }
0x54: {  	v6 =	vld [tilespmem:s22+$0x210]  }
0x55: {  	s31 =	simm.s32 $0x200;
	s25 =	simm.s32 $0x40  }
0x56: {  	s26 =	sand.u32 $0x1C00, s31;
	s28 =	simm.s32 $0x8;
	s3 =	sand.u32 $0x2000, s25;
	v3 =	vld [tilespmem:s22+$0x220]  }
0x57: {  	s24 =	simm.s32 $0x40;
	s25 =	sand.u32 $0x380, s28;
	s3 =	sor.u32 s26, s3;
	[tilespmem:s22+$0x4230] =	vst.add.f32.msk $0xffff, v4  }
0x58: {  	s26 =	sand.u32 $0x40, s24;
	s3 =	sor.u32 s25, s3;
	[tilespmem:s22+$0x4200] =	vst.add.f32.msk $0xffff, v5  }
0x59: {  	s3 =	sor.u32 s26, s3;
	[tilespmem:s22+$0x4210] =	vst.add.f32.msk $0xffff, v6  }
0x5a: {  	v5 =	vld [tilespmem:s3+$0x230]  }
0x5b: {  	s25 =	simm.s32 $0x4;
	v4 =	vld [tilespmem:s3+$0x200]  }
.LBB2_3:
0x5c: {  	s25 =	sadd.s32 $0x4, s25;
	v6 =	vld [tilespmem:s3+$0x210];
	s31 =	sadd.s32 $0x200, s31  }
0x5d: {  	s24 =	sadd.s32 $0x40, s24;
	s26 =	sshll.u32 s25, $0x4;
	p0 =	slt.u32 s25, $0x3FC;
	v7 =	vld [tilespmem:s3+$0x220]  }
0x5e: {  	s28 =	sand.u32 $0x1C00, s31;
	s12 =	sshll.u32 s25, $0x1;
	s26 =	sand.u32 $0x2000, s26;
	[tilespmem:s22+$0x4220] =	vst.add.f32.msk $0xffff, v3  }
.Ltmp0:
0x5f: {  	s12 =	sand.u32 $0x380, s12;
	s22 =	sor.u32 s28, s26;
	[tilespmem:s3+$0x4230] =	vst.add.f32.msk $0xffff, v5;
	(pc) =	sbr.rel @p0 .LBB2_3-.Ltmp0, $4  }
0x60: {  	s26 =	sand.u32 $0x40, s24;
	s12 =	sor.u32 s12, s22;
	[tilespmem:s3+$0x4200] =	vst.add.f32.msk $0xffff, v4;
	s22 =	smov.u32 s3  }
0x61: {  	s3 =	sor.u32 s26, s12;
	[tilespmem:s22+$0x4210] =	vst.add.f32.msk $0xffff, v6  }
0x62: {  	v5 =	vld [tilespmem:s3+$0x230];
	v3 =	vmov v7  }
0x63: {  	v4 =	vld [tilespmem:s3+$0x200]  }
0x64: {  	v6 =	vld [tilespmem:s3+$0x210]  }
0x65: {  	v7 =	vld [tilespmem:s3+$0x220]  }
0x66: {  	[tilespmem:s22+$0x4220] =	vst.add.f32.msk $0xffff, v3  }
0x67: {  	[tilespmem:s3+$0x4230] =	vst.add.f32.msk $0xffff, v5  }
0x68: {  	[tilespmem:s3+$0x4200] =	vst.add.f32.msk $0xffff, v4  }
0x69: {  	s24 =	rddreg [dreg:$0x3];
	[tilespmem:s3+$0x4210] =	vst.add.f32.msk $0xffff, v6  }
0x6a: {  	s12 =	simm.s32 $0x4200;
	p0 =	seq.s32 s0, $0x0;
	[tilespmem:s3+$0x4220] =	vst.add.f32.msk $0xffff, v7;
	s3 =	sadd.s32 s24, s13  }
0x6b: {  	[hbm4b:s3+s6] =	stream.linear.scatter [tilespmem:s12], [sflag:$0x5], $0x4000, $0x38;
	[tilespmem:$0x14200] =	vst v63  }
0x6c: {  	s3 =	simm.s32 @!p0 $0x8  }
0x6d: {  	_ =	swait.ge @!p0 [sflag:s3], $0x4000  }
0x6e: {  	s25 =	rddreg [dreg:$0x7]  }
0x6f: {  	s1 =	sadd.s32 s25, s1  }
0x70: {  	s28 =	simm.s32 $0x100;
	[sflag:s3] =	ssyncset.done @!p0 $0x0;
	s1 =	sshrl.u32 s1, $0x3  }
0x71: {  	s12 =	simm.s32 $0x0;
	[sflag:s3] =	ssyncadd.s32 @!p0 $0xFFFFC000;
	s26 =	sadd.s32 s1, s15  }
0x72: {  	[tilespmem:s28], [sflag:$0x9] =	stream.linear.gather [hbm4b:s26+s12], $0x10, $0x38;
	[tilespmem:$0x14200] =	vst v63  }
0x73: {  	_ =	swait.ge [sflag:s21], $0x10  }
0x74: {  	[sflag:s21] =	ssyncset.done $0x0  }
0x75: {  	[sflag:s21] =	ssyncadd.s32 $0xFFFFFFF0  }
0x76: {  	v3 =	vld [tilespmem:$0x100];
	_ =	sdelay $0x4  }
0x77: {  	v4 =	vshll.u32 v3, $0x3  }
0x78: {  	v3 =	vand.u32 $0x7, v3;
	v4 =	vand.u32 $0xFFFFFFC0, v4  }
0x79: {  	v3 =	vor.u32 v3, v4  }
0x7a: {  	v4 =	vperm.xlane v3, v0;
	_ =	sdelay $0x1  }
0x7b: {  	v4 =	vadd.s32 v1, v4;
	_ =	sdelay $0x4  }
0x7c: {  	[tilespmem:s23], [sflag:$0x3] =	stream.indirect_vreg.gather [hbm4b:s4+s12], $0x80, v4, vm0, $0xb8;
	[tilespmem:$0x14200] =	vst v63  }
0x7d: {  	s22 =	simm.s32 $0xCA00;
	v3 =	vperm.xlane v3, v2  }
0x7e: {  	[tilespmem:s22], [sflag:$0x3] =	stream.indirect_vreg.gather [hbm4b:s9+s12], $0x80, v4, vm0, $0xb8;
	[tilespmem:$0x14200] =	vst v63  }
0x7f: {  	s24 =	simm.s32 $0xD200;
	v3 =	vadd.s32 v1, v3  }
0x80: {  	[tilespmem:s24], [sflag:$0x3] =	stream.indirect_vreg.gather [hbm4b:s10+s12], $0x80, v4, vm0, $0xb8;
	[tilespmem:$0x14200] =	vst v63  }
0x81: {  	s25 =	simm.s32 $0xDA00  }
0x82: {  	[tilespmem:s25], [sflag:$0x3] =	stream.indirect_vreg.gather [hbm4b:s11+s12], $0x80, v4, vm0, $0xb8;
	[tilespmem:$0x14200] =	vst v63  }
0x83: {  	s26 =	simm.s32 $0xE200  }
0x84: {  	[tilespmem:s26], [sflag:$0x3] =	stream.indirect_vreg.gather [hbm4b:s4+s12], $0x80, v3, vm0, $0xb8;
	[tilespmem:$0x14200] =	vst v63  }
0x85: {  	s28 =	simm.s32 $0xEA00  }
0x86: {  	[tilespmem:s28], [sflag:$0x3] =	stream.indirect_vreg.gather [hbm4b:s9+s12], $0x80, v3, vm0, $0xb8;
	[tilespmem:$0x14200] =	vst v63  }
0x87: {  	s22 =	simm.s32 $0xF200  }
0x88: {  	[tilespmem:s22], [sflag:$0x3] =	stream.indirect_vreg.gather [hbm4b:s10+s12], $0x80, v3, vm0, $0xb8;
	[tilespmem:$0x14200] =	vst v63  }
0x89: {  	s24 =	simm.s32 $0xFA00;
	s25 =	simm.s32 $0x0  }
0x8a: {  	[tilespmem:s24], [sflag:$0x3] =	stream.indirect_vreg.gather [hbm4b:s11+s12], $0x80, v3, vm0, $0xb8;
	[tilespmem:$0x14200] =	vst v63  }
0x8b: {  	s3 =	sand.u32 $0x2000, s25;
	s26 =	sand.u32 $0x1C00, s12;
	s24 =	simm.s32 $0x0  }
0x8c: {  	s3 =	sor.u32 s26, s3;
	_ =	swait.ge [sflag:s20], $0x4000;
	s28 =	sand.u32 $0x380, s24  }
0x8d: {  	s12 =	sand.u32 $0x40, s12;
	[sflag:s20] =	ssyncset.done $0x0;
	s3 =	sor.u32 s28, s3  }
0x8e: {  	[sflag:s20] =	ssyncadd.s32 $0xFFFFC000;
	s22 =	sor.u32 s12, s3  }
0x8f: {  	v4 =	vld [tilespmem:s22+$0x230]  }
0x90: {  	v5 =	vld [tilespmem:s22+$0x200]  }
0x91: {  	v6 =	vld [tilespmem:s22+$0x210]  }
0x92: {  	s31 =	simm.s32 $0x200;
	s12 =	simm.s32 $0x40  }
0x93: {  	s25 =	simm.s32 $0x8;
	s24 =	sand.u32 $0x1C00, s31;
	v3 =	vld [tilespmem:s22+$0x220];
	s3 =	sand.u32 $0x2000, s12  }
0x94: {  	s26 =	sand.u32 $0x380, s25;
	s3 =	sor.u32 s24, s3;
	s24 =	simm.s32 $0x40;
	[tilespmem:s22+$0x8230] =	vst.add.f32.msk $0xffff, v4  }
0x95: {  	s3 =	sor.u32 s26, s3;
	s28 =	sand.u32 $0x40, s24;
	[tilespmem:s22+$0x8200] =	vst.add.f32.msk $0xffff, v5  }
0x96: {  	s3 =	sor.u32 s28, s3;
	[tilespmem:s22+$0x8210] =	vst.add.f32.msk $0xffff, v6  }
0x97: {  	v5 =	vld [tilespmem:s3+$0x230]  }
0x98: {  	s25 =	simm.s32 $0x4;
	v4 =	vld [tilespmem:s3+$0x200]  }
.LBB2_5:
0x99: {  	s25 =	sadd.s32 $0x4, s25;
	v6 =	vld [tilespmem:s3+$0x210];
	s31 =	sadd.s32 $0x200, s31  }
0x9a: {  	s24 =	sadd.s32 $0x40, s24;
	s12 =	sshll.u32 s25, $0x4;
	p0 =	slt.u32 s25, $0x3FC;
	v7 =	vld [tilespmem:s3+$0x220]  }
0x9b: {  	s26 =	sand.u32 $0x1C00, s31;
	s28 =	sshll.u32 s25, $0x1;
	s12 =	sand.u32 $0x2000, s12;
	[tilespmem:s22+$0x8220] =	vst.add.f32.msk $0xffff, v3  }
.Ltmp1:
0x9c: {  	s22 =	sand.u32 $0x380, s28;
	s12 =	sor.u32 s26, s12;
	[tilespmem:s3+$0x8230] =	vst.add.f32.msk $0xffff, v5;
	(pc) =	sbr.rel @p0 .LBB2_5-.Ltmp1, $4  }
0x9d: {  	s26 =	sand.u32 $0x40, s24;
	s12 =	sor.u32 s22, s12;
	[tilespmem:s3+$0x8200] =	vst.add.f32.msk $0xffff, v4;
	s22 =	smov.u32 s3  }
0x9e: {  	s3 =	sor.u32 s26, s12;
	[tilespmem:s22+$0x8210] =	vst.add.f32.msk $0xffff, v6  }
0x9f: {  	v5 =	vld [tilespmem:s3+$0x230];
	v3 =	vmov v7  }
0xa0: {  	v4 =	vld [tilespmem:s3+$0x200]  }
0xa1: {  	v6 =	vld [tilespmem:s3+$0x210]  }
0xa2: {  	v7 =	vld [tilespmem:s3+$0x220]  }
0xa3: {  	[tilespmem:s22+$0x8220] =	vst.add.f32.msk $0xffff, v3  }
0xa4: {  	[tilespmem:s3+$0x8230] =	vst.add.f32.msk $0xffff, v5  }
0xa5: {  	[tilespmem:s3+$0x8200] =	vst.add.f32.msk $0xffff, v4  }
0xa6: {  	[tilespmem:s3+$0x8210] =	vst.add.f32.msk $0xffff, v6  }
0xa7: {  	s22 =	sadd.s32 s13, s16;
	s12 =	simm.s32 $0x0;
	s24 =	simm.s32 $0x8200;
	[tilespmem:s3+$0x8220] =	vst.add.f32.msk $0xffff, v7  }
0xa8: {  	[hbm4b:s22+s12] =	stream.linear.scatter [tilespmem:s24], [sflag:$0x6], $0x4000, $0x38;
	[tilespmem:$0x14200] =	vst v63  }
0xa9: {  	_ =	swait.ge [sflag:s2], $0x4000  }
0xaa: {  	[sflag:s2] =	ssyncset.done $0x0  }
0xab: {  	s1 =	sadd.s32 s1, s17;
	s25 =	simm.s32 $0x180;
	[sflag:s2] =	ssyncadd.s32 $0xFFFFC000  }
0xac: {  	[tilespmem:s25], [sflag:$0x9] =	stream.linear.gather [hbm4b:s1+s12], $0x10, $0x38;
	[tilespmem:$0x14200] =	vst v63  }
0xad: {  	_ =	swait.ge [sflag:s21], $0x10  }
0xae: {  	[sflag:s21] =	ssyncset.done $0x0  }
0xaf: {  	[sflag:s21] =	ssyncadd.s32 $0xFFFFFFF0  }
0xb0: {  	v3 =	vld [tilespmem:$0x180];
	_ =	sdelay $0x4  }
0xb1: {  	v4 =	vshll.u32 v3, $0x3  }
0xb2: {  	v3 =	vand.u32 $0x7, v3;
	v4 =	vand.u32 $0xFFFFFFC0, v4  }
0xb3: {  	v3 =	vor.u32 v3, v4  }
0xb4: {  	v4 =	vperm.xlane v3, v0;
	_ =	sdelay $0x1  }
0xb5: {  	v4 =	vadd.s32 v1, v4;
	_ =	sdelay $0x4  }
0xb6: {  	[tilespmem:s5], [sflag:$0x4] =	stream.indirect_vreg.gather [hbm4b:s4+s12], $0x80, v4, vm0, $0xb8;
	[tilespmem:$0x14200] =	vst v63  }
0xb7: {  	s26 =	simm.s32 $0x10A00;
	v3 =	vperm.xlane v3, v2  }
0xb8: {  	[tilespmem:s26], [sflag:$0x4] =	stream.indirect_vreg.gather [hbm4b:s9+s12], $0x80, v4, vm0, $0xb8;
	[tilespmem:$0x14200] =	vst v63  }
0xb9: {  	s28 =	simm.s32 $0x11200;
	v3 =	vadd.s32 v1, v3  }
0xba: {  	[tilespmem:s28], [sflag:$0x4] =	stream.indirect_vreg.gather [hbm4b:s10+s12], $0x80, v4, vm0, $0xb8;
	[tilespmem:$0x14200] =	vst v63  }
0xbb: {  	s31 =	simm.s32 $0x11A00  }
0xbc: {  	[tilespmem:s31], [sflag:$0x4] =	stream.indirect_vreg.gather [hbm4b:s11+s12], $0x80, v4, vm0, $0xb8;
	[tilespmem:$0x14200] =	vst v63  }
0xbd: {  	s3 =	simm.s32 $0x12200  }
0xbe: {  	[tilespmem:s3], [sflag:$0x4] =	stream.indirect_vreg.gather [hbm4b:s4+s12], $0x80, v3, vm0, $0xb8;
	[tilespmem:$0x14200] =	vst v63  }
0xbf: {  	s22 =	simm.s32 $0x12A00  }
0xc0: {  	[tilespmem:s22], [sflag:$0x4] =	stream.indirect_vreg.gather [hbm4b:s9+s12], $0x80, v3, vm0, $0xb8;
	[tilespmem:$0x14200] =	vst v63  }
0xc1: {  	s24 =	simm.s32 $0x13200;
	s25 =	simm.s32 $0x13A00;
	s26 =	simm.s32 $0x0  }
0xc2: {  	[tilespmem:s24], [sflag:$0x4] =	stream.indirect_vreg.gather [hbm4b:s10+s12], $0x80, v3, vm0, $0xb8;
	[tilespmem:$0x14200] =	vst v63  }
0xc3: {  	s1 =	sand.u32 $0x2000, s26;
	s28 =	sand.u32 $0x1C00, s12;
	s31 =	simm.s32 $0x0  }
0xc4: {  	[tilespmem:s25], [sflag:$0x4] =	stream.indirect_vreg.gather [hbm4b:s11+s12], $0x80, v3, vm0, $0xb8;
	[tilespmem:$0x14200] =	vst v63  }
0xc5: {  	s1 =	sor.u32 s28, s1;
	s24 =	sand.u32 $0x380, s31;
	_ =	swait.ge [sflag:s29], $0x4000  }
0xc6: {  	s1 =	sor.u32 s24, s1;
	s12 =	sand.u32 $0x40, s12;
	[sflag:s29] =	ssyncset.done $0x0  }
0xc7: {  	s22 =	sor.u32 s12, s1;
	[sflag:s29] =	ssyncadd.s32 $0xFFFFC000  }
0xc8: {  	v4 =	vld [tilespmem:s22+$0x230]  }
0xc9: {  	v5 =	vld [tilespmem:s22+$0x200]  }
0xca: {  	v6 =	vld [tilespmem:s22+$0x210]  }
0xcb: {  	s25 =	simm.s32 $0x40;
	s1 =	simm.s32 $0x200  }
0xcc: {  	s24 =	simm.s32 $0x8;
	s3 =	sand.u32 $0x2000, s25;
	s26 =	sand.u32 $0x1C00, s1;
	v3 =	vld [tilespmem:s22+$0x220]  }
0xcd: {  	s28 =	sand.u32 $0x380, s24;
	s24 =	simm.s32 $0x40;
	s3 =	sor.u32 s26, s3;
	[tilespmem:s22+$0xC230] =	vst.add.f32.msk $0xffff, v4  }
0xce: {  	s31 =	sand.u32 $0x40, s24;
	s3 =	sor.u32 s28, s3;
	[tilespmem:s22+$0xC200] =	vst.add.f32.msk $0xffff, v5  }
0xcf: {  	s3 =	sor.u32 s31, s3;
	[tilespmem:s22+$0xC210] =	vst.add.f32.msk $0xffff, v6  }
0xd0: {  	v5 =	vld [tilespmem:s3+$0x230]  }
0xd1: {  	s25 =	simm.s32 $0x4;
	v4 =	vld [tilespmem:s3+$0x200]  }
.LBB2_7:
0xd2: {  	s25 =	sadd.s32 $0x4, s25;
	v6 =	vld [tilespmem:s3+$0x210];
	s1 =	sadd.s32 $0x200, s1  }
0xd3: {  	s24 =	sadd.s32 $0x40, s24;
	s12 =	sshll.u32 s25, $0x4;
	p0 =	slt.u32 s25, $0x3FC;
	v7 =	vld [tilespmem:s3+$0x220]  }
0xd4: {  	s26 =	sand.u32 $0x1C00, s1;
	s28 =	sshll.u32 s25, $0x1;
	s12 =	sand.u32 $0x2000, s12;
	[tilespmem:s22+$0xC220] =	vst.add.f32.msk $0xffff, v3  }
.Ltmp2:
0xd5: {  	s22 =	sand.u32 $0x380, s28;
	s12 =	sor.u32 s26, s12;
	[tilespmem:s3+$0xC230] =	vst.add.f32.msk $0xffff, v5;
	(pc) =	sbr.rel @p0 .LBB2_7-.Ltmp2, $4  }
0xd6: {  	s26 =	sand.u32 $0x40, s24;
	s12 =	sor.u32 s22, s12;
	[tilespmem:s3+$0xC200] =	vst.add.f32.msk $0xffff, v4;
	s22 =	smov.u32 s3  }
0xd7: {  	s3 =	sor.u32 s26, s12;
	[tilespmem:s22+$0xC210] =	vst.add.f32.msk $0xffff, v6  }
0xd8: {  	v5 =	vld [tilespmem:s3+$0x230];
	v3 =	vmov v7  }
0xd9: {  	v4 =	vld [tilespmem:s3+$0x200]  }
0xda: {  	v6 =	vld [tilespmem:s3+$0x210]  }
0xdb: {  	v7 =	vld [tilespmem:s3+$0x220]  }
0xdc: {  	[tilespmem:s22+$0xC220] =	vst.add.f32.msk $0xffff, v3  }
0xdd: {  	[tilespmem:s3+$0xC230] =	vst.add.f32.msk $0xffff, v5  }
0xde: {  	[tilespmem:s3+$0xC200] =	vst.add.f32.msk $0xffff, v4  }
0xdf: {  	[tilespmem:s3+$0xC210] =	vst.add.f32.msk $0xffff, v6  }
0xe0: {  	s1 =	sadd.s32 s13, s18;
	[tilespmem:s3+$0xC220] =	vst.add.f32.msk $0xffff, v7  }
0xe1: {  	[hbm4b:s1+s6] =	stream.linear.scatter [tilespmem:s23], [sflag:$0x7], $0x4000, $0x38;
	[tilespmem:$0x14200] =	vst v63  }
0xe2: {  	p0 =	seq.s32 s0, $0x7;
	s1 =	sadd.s32 $0x1, s0  }
0xe3: {  	s0 =	sshll.u32 @!p0 s1, $0x4  }
0xe4: {  	s12 =	simm.s32 @!p0 $0x6;
	s3 =	sadd.s32 @!p0 s7, s0  }
0xe5: {  	_ =	swait.ge @!p0 [sflag:s12], $0x4000;
	s3 =	sshll.u32 @!p0 s3, $0x2  }
0xe6: {  	s0 =	sand.u32 @!p0 $0x70, s0;
	[sflag:s12] =	ssyncset.done @!p0 $0x0;
	s3 =	sand.u32 @!p0 $0x7E00, s3  }
0xe7: {  	[sflag:s12] =	ssyncadd.s32 @!p0 $0xFFFFC000;
	s0 =	sor.u32 @!p0 s0, s3  }
0xe8: {  	s3 =	rddreg [dreg:$0x0];
	s0 =	sshrl.u32 @!p0 s0, $0x3  }
0xe9: {  	s12 =	simm.s32 @!p0 $0x0;
	s3 =	sadd.s32 @!p0 s3, s0  }
0xea: {  	[tilespmem:s12], [sflag:$0x9] =	stream.linear.gather @!p0 [hbm4b:s3+s12], $0x10, $0x38;
	[tilespmem:$0x14200] =	vst v63  }
0xeb: {  	s3 =	simm.s32 @!p0 $0x9  }
0xec: {  	_ =	swait.ge @!p0 [sflag:s3], $0x10  }
0xed: {  	[sflag:s3] =	ssyncset.done @!p0 $0x0  }
0xee: {  	[sflag:s3] =	ssyncadd.s32 @!p0 $0xFFFFFFF0  }
0xef: {  	v3 =	vld @!p0 [tilespmem:$0x0];
	_ =	sdelay $0x4  }
0xf0: {  	v4 =	vshll.u32 @!p0 v3, $0x3  }
0xf1: {  	v5 =	vlaneseq.u32 @!p0;
	v3 =	vand.u32 @!p0 $0x7, v3;
	v4 =	vand.u32 @!p0 $0xFFFFFFC0, v4  }
0xf2: {  	v6 =	vshrl.u32 @!p0 v5, $0x3;
	v3 =	vor.u32 @!p0 v3, v4;
	v4 =	vand.u32 @!p0 $0x7, v5  }
0xf3: {  	v6 =	vmul.u32 @!p0 $0x8, v6;
	v4 =	vperm.xlane @!p0 v3, v4;
	_ =	sdelay $0x1  }
0xf4: {  	v4 =	vadd.s32 @!p0 v6, v4;
	_ =	sdelay $0x3  }
0xf5: {  	vm1 =	vmmov @!p0 $0xffff;
	s3 =	simm.s32 @!p0 $0x4200  }
0xf6: {  	v5 =	vor.u32 @!p0 $0x8, v5;
	[tilespmem:s3], [sflag:$0x1] =	stream.indirect_vreg.gather @!p0 [hbm4b:s4+s12], $0x80, v4, vm1, $0xb8;
	[tilespmem:$0x14200] =	vst v63  }
0xf7: {  	v3 =	vperm.xlane @!p0 v3, v5;
	s3 =	simm.s32 @!p0 $0x4A00  }
0xf8: {  	[tilespmem:s3], [sflag:$0x1] =	stream.indirect_vreg.gather @!p0 [hbm4b:s9+s12], $0x80, v4, vm1, $0xb8;
	[tilespmem:$0x14200] =	vst v63  }
0xf9: {  	v3 =	vadd.s32 @!p0 v6, v3;
	s3 =	simm.s32 @!p0 $0x5200  }
0xfa: {  	[tilespmem:s3], [sflag:$0x1] =	stream.indirect_vreg.gather @!p0 [hbm4b:s10+s12], $0x80, v4, vm1, $0xb8;
	[tilespmem:$0x14200] =	vst v63  }
0xfb: {  	s3 =	simm.s32 @!p0 $0x5A00  }
0xfc: {  	[tilespmem:s3], [sflag:$0x1] =	stream.indirect_vreg.gather @!p0 [hbm4b:s11+s12], $0x80, v4, vm1, $0xb8;
	[tilespmem:$0x14200] =	vst v63  }
0xfd: {  	s3 =	simm.s32 @!p0 $0x6200  }
0xfe: {  	[tilespmem:s3], [sflag:$0x1] =	stream.indirect_vreg.gather @!p0 [hbm4b:s4+s12], $0x80, v3, vm1, $0xb8;
	[tilespmem:$0x14200] =	vst v63  }
0xff: {  	s3 =	simm.s32 @!p0 $0x6A00  }
0x100: {  	[tilespmem:s3], [sflag:$0x1] =	stream.indirect_vreg.gather @!p0 [hbm4b:s9+s12], $0x80, v3, vm1, $0xb8;
	[tilespmem:$0x14200] =	vst v63  }
0x101: {  	s3 =	simm.s32 @!p0 $0x7200  }
0x102: {  	[tilespmem:s3], [sflag:$0x1] =	stream.indirect_vreg.gather @!p0 [hbm4b:s10+s12], $0x80, v3, vm1, $0xb8;
	[tilespmem:$0x14200] =	vst v63  }
0x103: {  	s3 =	simm.s32 @!p0 $0x7A00  }
0x104: {  	[tilespmem:s3], [sflag:$0x1] =	stream.indirect_vreg.gather @!p0 [hbm4b:s11+s12], $0x80, v3, vm1, $0xb8;
	[tilespmem:$0x14200] =	vst v63  }
0x105: {  	s25 =	simm.s32 $0x0;
	s3 =	simm.s32 $0x0  }
0x106: {  	s24 =	simm.s32 $0x0;
	s12 =	sand.u32 $0x2000, s25;
	s26 =	sand.u32 $0x1C00, s3  }
0x107: {  	s28 =	sand.u32 $0x380, s24;
	_ =	swait.ge [sflag:s8], $0x4000;
	s12 =	sor.u32 s26, s12  }
0x108: {  	s3 =	sand.u32 $0x40, s3;
	[sflag:s8] =	ssyncset.done $0x0;
	s12 =	sor.u32 s28, s12  }
0x109: {  	[sflag:s8] =	ssyncadd.s32 $0xFFFFC000;
	s22 =	sor.u32 s3, s12  }
0x10a: {  	v4 =	vld [tilespmem:s22+$0x230]  }
0x10b: {  	v5 =	vld [tilespmem:s22+$0x200]  }
0x10c: {  	v6 =	vld [tilespmem:s22+$0x210]  }
0x10d: {  	s31 =	simm.s32 $0x200;
	s24 =	simm.s32 $0x40  }
0x10e: {  	s25 =	sand.u32 $0x1C00, s31;
	s26 =	simm.s32 $0x8;
	s3 =	sand.u32 $0x2000, s24;
	v3 =	vld [tilespmem:s22+$0x220]  }
0x10f: {  	s28 =	sand.u32 $0x380, s26;
	s24 =	simm.s32 $0x40;
	s3 =	sor.u32 s25, s3;
	[tilespmem:s22+$0x10230] =	vst.add.f32.msk $0xffff, v4  }
0x110: {  	s25 =	sand.u32 $0x40, s24;
	s3 =	sor.u32 s28, s3;
	[tilespmem:s22+$0x10200] =	vst.add.f32.msk $0xffff, v5  }
0x111: {  	s3 =	sor.u32 s25, s3;
	[tilespmem:s22+$0x10210] =	vst.add.f32.msk $0xffff, v6  }
0x112: {  	v5 =	vld [tilespmem:s3+$0x230]  }
0x113: {  	s25 =	simm.s32 $0x4;
	v4 =	vld [tilespmem:s3+$0x200]  }
.LBB2_9:
0x114: {  	s25 =	sadd.s32 $0x4, s25;
	v6 =	vld [tilespmem:s3+$0x210];
	s31 =	sadd.s32 $0x200, s31  }
0x115: {  	s24 =	sadd.s32 $0x40, s24;
	s12 =	sshll.u32 s25, $0x4;
	p1 =	slt.u32 s25, $0x3FC;
	v7 =	vld [tilespmem:s3+$0x220]  }
0x116: {  	s26 =	sand.u32 $0x1C00, s31;
	s28 =	sshll.u32 s25, $0x1;
	s12 =	sand.u32 $0x2000, s12;
	[tilespmem:s22+$0x10220] =	vst.add.f32.msk $0xffff, v3  }
.Ltmp3:
0x117: {  	s22 =	sand.u32 $0x380, s28;
	s12 =	sor.u32 s26, s12;
	[tilespmem:s3+$0x10230] =	vst.add.f32.msk $0xffff, v5;
	(pc) =	sbr.rel @p1 .LBB2_9-.Ltmp3, $4  }
0x118: {  	s26 =	sand.u32 $0x40, s24;
	s12 =	sor.u32 s22, s12;
	[tilespmem:s3+$0x10200] =	vst.add.f32.msk $0xffff, v4;
	s22 =	smov.u32 s3  }
0x119: {  	s3 =	sor.u32 s26, s12;
	[tilespmem:s22+$0x10210] =	vst.add.f32.msk $0xffff, v6  }
0x11a: {  	v5 =	vld [tilespmem:s3+$0x230];
	v3 =	vmov v7  }
0x11b: {  	v4 =	vld [tilespmem:s3+$0x200]  }
0x11c: {  	v6 =	vld [tilespmem:s3+$0x210]  }
0x11d: {  	v7 =	vld [tilespmem:s3+$0x220]  }
0x11e: {  	[tilespmem:s22+$0x10220] =	vst.add.f32.msk $0xffff, v3  }
0x11f: {  	[tilespmem:s3+$0x10230] =	vst.add.f32.msk $0xffff, v5  }
0x120: {  	[tilespmem:s3+$0x10200] =	vst.add.f32.msk $0xffff, v4  }
0x121: {  	[tilespmem:s3+$0x10210] =	vst.add.f32.msk $0xffff, v6  }
0x122: {  	s31 =	sadd.s32 s13, s19;
	[tilespmem:s3+$0x10220] =	vst.add.f32.msk $0xffff, v7;
	s3 =	simm.s32 @!p0 $0x7  }
0x123: {  	[hbm4b:s31+s6] =	stream.linear.scatter [tilespmem:s5], [sflag:$0x8], $0x4000, $0x38;
	[tilespmem:$0x14200] =	vst v63  }
0x124: {  	_ =	swait.ge @!p0 [sflag:s3], $0x4000  }
0x125: {  	s0 =	sadd.s32 @!p0 s0, s14;
	[sflag:s3] =	ssyncset.done @!p0 $0x0  }
0x126: {  	s12 =	simm.s32 @!p0 $0x80;
	[sflag:s3] =	ssyncadd.s32 @!p0 $0xFFFFC000;
	s3 =	simm.s32 @!p0 $0x0  }
0x127: {  	[tilespmem:s12], [sflag:$0x9] =	stream.linear.gather @!p0 [hbm4b:s0+s3], $0x10, $0x38;
	[tilespmem:$0x14200] =	vst v63  }
0x128: {  	s0 =	simm.s32 @!p0 $0x9  }
0x129: {  	_ =	swait.ge @!p0 [sflag:s0], $0x10  }
0x12a: {  	[sflag:s0] =	ssyncset.done @!p0 $0x0  }
0x12b: {  	[sflag:s0] =	ssyncadd.s32 @!p0 $0xFFFFFFF0  }
0x12c: {  	v3 =	vld @!p0 [tilespmem:$0x80];
	_ =	sdelay $0x4  }
0x12d: {  	v4 =	vshll.u32 @!p0 v3, $0x3  }
0x12e: {  	v5 =	vlaneseq.u32 @!p0;
	v3 =	vand.u32 @!p0 $0x7, v3;
	v4 =	vand.u32 @!p0 $0xFFFFFFC0, v4  }
0x12f: {  	v6 =	vshrl.u32 @!p0 v5, $0x3;
	v3 =	vor.u32 @!p0 v3, v4;
	v4 =	vand.u32 @!p0 $0x7, v5  }
0x130: {  	v6 =	vmul.u32 @!p0 $0x8, v6;
	v4 =	vperm.xlane @!p0 v3, v4;
	_ =	sdelay $0x1  }
0x131: {  	v4 =	vadd.s32 @!p0 v6, v4;
	_ =	sdelay $0x3  }
0x132: {  	s0 =	simm.s32 @!p0 $0x8200  }
0x133: {  	v5 =	vor.u32 @!p0 $0x8, v5;
	[tilespmem:s0], [sflag:$0x2] =	stream.indirect_vreg.gather @!p0 [hbm4b:s4+s3], $0x80, v4, vm1, $0xb8;
	[tilespmem:$0x14200] =	vst v63  }
0x134: {  	v3 =	vperm.xlane @!p0 v3, v5;
	s0 =	simm.s32 @!p0 $0x8A00  }
0x135: {  	[tilespmem:s0], [sflag:$0x2] =	stream.indirect_vreg.gather @!p0 [hbm4b:s9+s3], $0x80, v4, vm1, $0xb8;
	[tilespmem:$0x14200] =	vst v63  }
0x136: {  	v3 =	vadd.s32 @!p0 v6, v3;
	s0 =	simm.s32 @!p0 $0x9200  }
0x137: {  	[tilespmem:s0], [sflag:$0x2] =	stream.indirect_vreg.gather @!p0 [hbm4b:s10+s3], $0x80, v4, vm1, $0xb8;
	[tilespmem:$0x14200] =	vst v63  }
0x138: {  	s0 =	simm.s32 @!p0 $0x9A00  }
0x139: {  	[tilespmem:s0], [sflag:$0x2] =	stream.indirect_vreg.gather @!p0 [hbm4b:s11+s3], $0x80, v4, vm1, $0xb8;
	[tilespmem:$0x14200] =	vst v63  }
0x13a: {  	s0 =	simm.s32 @!p0 $0xA200  }
0x13b: {  	[tilespmem:s0], [sflag:$0x2] =	stream.indirect_vreg.gather @!p0 [hbm4b:s4+s3], $0x80, v3, vm1, $0xb8;
	[tilespmem:$0x14200] =	vst v63  }
0x13c: {  	s0 =	simm.s32 @!p0 $0xAA00  }
0x13d: {  	[tilespmem:s0], [sflag:$0x2] =	stream.indirect_vreg.gather @!p0 [hbm4b:s9+s3], $0x80, v3, vm1, $0xb8;
	[tilespmem:$0x14200] =	vst v63  }
0x13e: {  	s0 =	simm.s32 @!p0 $0xB200  }
0x13f: {  	[tilespmem:s0], [sflag:$0x2] =	stream.indirect_vreg.gather @!p0 [hbm4b:s10+s3], $0x80, v3, vm1, $0xb8;
	[tilespmem:$0x14200] =	vst v63  }
0x140: {  	p1 =	sne.s32 @!p0 s1, $0x8;
	s0 =	simm.s32 @!p0 $0xBA00  }
0x141: {  	[tilespmem:s0], [sflag:$0x2] =	stream.indirect_vreg.gather @!p0 [hbm4b:s11+s3], $0x80, v3, vm1, $0xb8;
	[tilespmem:$0x14200] =	vst v63  }
0x142: {  	p0 =	por p0, !p1  }
.Ltmp4:
0x143: {  	_ = 	snop;
	(pc) =	sbr.rel @!p0 .LBB2_2-.Ltmp4, $2  }
0x144: {  	_ =	sdelay $0x2  }
0x145: {  	s0 =	smov.u32 s1  }
0x146: {  	s0 =	simm.s32 $0x6  }
0x147: {  	_ =	swait.ge [sflag:s0], $0x4000  }
0x148: {  	[sflag:s0] =	ssyncset.done $0x0  }
0x149: {  	s28 =	simm.s32 $0x7;
	[sflag:s0] =	ssyncadd.s32 $0xFFFFC000  }
0x14a: {  	_ =	swait.ge [sflag:s28], $0x4000  }
0x14b: {  	[sflag:s28] =	ssyncset.done $0x0  }
0x14c: {  	s1 =	simm.s32 $0x8;
	[sflag:s28] =	ssyncadd.s32 $0xFFFFC000  }
0x14d: {  	_ =	swait.ge [sflag:s1], $0x4000  }
0x14e: {  	s3 =	rddreg [dreg:$0x9]  }
0x14f: {  	s31 =	rddreg [dreg:$0x8];
	s3 =	sadd.s32 $0x1, s3  }
0x150: {  	p0 =	sne.s32 s3, s31  }
.Ltmp5:
0x151: {  	_ = 	snop;
	(pc) =	sbr.rel @p0 .LBB2_1-.Ltmp5, $3  }
0x152: {  	_ =	sdelay $0x1  }
0x153: {  	[sflag:s1] =	ssyncset.done $0x0  }
0x154: {  	[sflag:s1] =	ssyncadd.s32 $0xFFFFC000  }
0x155: {  	_ =	sfence.sel $0x180000  }
0x156: {  	[bflag:$0x0] =	sbarrier.arrive $0xFFFF  }
0x157: {  	_ =	strace $0x90000047  }
0x158: {  	s0 =	stileid.u32;
	[bflag:$0x2] =	sbarrier.arrive $0xFFFF  }
0x159: {  	p0 =	sne.s32 s0, $0x0;
	s0 =	rddreg [dreg:$0x4]  }
0x15a: {  	s0 =	sadd.s32 @!p0 $0x100000, s0  }
0x15b: {  	[sflag:s0] =	ssyncadd.tile.s32 @!p0 $0x1;
	_ =	shalt  }
.Lfunc_end2:
_tile_overlayer_lowered:
.L_overlay_start_2:
0x15c: {  	(tag) =	ssettag $0x2  }
0x15d: {  	s0 =	rddreg [dreg:$0x0];
	s2 =	stileid.u32  }
0x15e: {  	s1 =	rddreg [dreg:$0x1];
	p0 =	sne.s32 s2, $0x0  }
0x15f: {  	s3 =	rddreg [dreg:$0x2];
	[bflag:$0x3] =	sbarrier.arrive $0xFFFF;
	s2 =	simm.s32 @!p0 $0x1C09  }
0x160: {  	[timem:s3], [sflag:s2] =	dma.local @!p0 [hbm:s0], s1  }
0x161: {  	s0 =	simm.s32 @!p0 $0x9  }
0x162: {  	_ =	swait.ge @!p0 [sflag:s0], s1  }
0x163: {  	s1 =	ssub.s32 @!p0 $0x0, s1;
	[sflag:s0] =	ssyncset.done @!p0 $0x0  }
0x164: {  	[sflag:s0] =	ssyncadd.s32 @!p0 s1  }
0x165: {  	[bflag:$0x3] =	sbarrier.arrive $0xFFFF  }
0x166: {  	_ =	shalt  }

</sc_bundles>
